<compile_context>
chip_gen: v7x
topology: tpu7x:2x2x1
jax: 0.10.2.dev20260603
libtpu: 0.0.44.dev20260713+nightly
codegen_flags: <defaults>
</compile_context>

<pallas_src>
import functools

import jax
import jax.numpy as jnp
from jax import lax
from jax.experimental import pallas as pl
from jax.experimental.pallas import tpu as pltpu
from jax.experimental.pallas import tpu_sc as plsc

N_NODES = 10000
N_PAD = 10240
N_EDGES = 320000
IN_CH = 128
HID = 256
OUT_CH = 128

NC = 2
NS = 16
NW = NC * NS
CHUNK = 128
NCHUNK = 80
EW = NCHUNK * CHUNK
E_PAD = NW * EW
TRASH = N_PAD - 1

ROWS_PER_TILE = N_PAD // NS

_MESH = plsc.VectorSubcoreMesh(core_axis_name="c", subcore_axis_name="s")



@functools.partial(
    pl.kernel,
    out_type=[
        jax.ShapeDtypeStruct((N_PAD,), jnp.float32),
        jax.ShapeDtypeStruct((N_PAD,), jnp.float32),
    ],
    mesh=_MESH,
    scratch_types=[
        pltpu.VMEM((NCHUNK, CHUNK), jnp.int32),
        pltpu.VMEM((CHUNK,), jnp.float32),
        pltpu.VMEM_SHARED((N_PAD,), jnp.float32),
        pltpu.SemaphoreType.DMA,
    ],
)
def _sc_degree(dst2_hbm, ones_hbm, zeros1_hbm, dp0_hbm, dp1_hbm, dst_v,
               ones_v, deg_sh, isem):
    c = lax.axis_index("c")
    s = lax.axis_index("s")
    w = c * NS + s
    r0 = s * ROWS_PER_TILE
    pltpu.sync_copy(zeros1_hbm.at[pl.ds(r0, ROWS_PER_TILE)],
                    deg_sh.at[pl.ds(r0, ROWS_PER_TILE)])
    pltpu.sync_copy(ones_hbm, ones_v)
    pltpu.sync_copy(dst2_hbm.at[w], dst_v)
    plsc.subcore_barrier()

    @pl.loop(0, NCHUNK)
    def _loop(i):
        pltpu.sync_copy(ones_v, deg_sh.at[dst_v.at[i]], add=True)

    plsc.subcore_barrier()
    pltpu.sync_copy(dst2_hbm.at[w, 0], dst_v.at[0])
    plsc.subcore_barrier()

    @pl.when(c == 0)
    def _():
        pltpu.sync_copy(deg_sh.at[pl.ds(r0, ROWS_PER_TILE)],
                        dp0_hbm.at[pl.ds(r0, ROWS_PER_TILE)])

    @pl.when(c == 1)
    def _():
        pltpu.sync_copy(deg_sh.at[pl.ds(r0, ROWS_PER_TILE)],
                        dp1_hbm.at[pl.ds(r0, ROWS_PER_TILE)])


@functools.partial(
    pl.kernel,
    out_type=[
        jax.ShapeDtypeStruct((N_PAD, IN_CH), jnp.float32),
        jax.ShapeDtypeStruct((N_PAD, IN_CH), jnp.float32),
    ],
    mesh=_MESH,
    scratch_types=[
        pltpu.VMEM((CHUNK,), jnp.int32),
        pltpu.VMEM((CHUNK,), jnp.int32),
        pltpu.VMEM((CHUNK,), jnp.int32),
        pltpu.VMEM((CHUNK,), jnp.int32),
        pltpu.VMEM((CHUNK, IN_CH), jnp.float32),
        pltpu.VMEM((CHUNK, IN_CH), jnp.float32),
        pltpu.VMEM_SHARED((N_PAD, IN_CH), jnp.float32),
        pltpu.SemaphoreType.DMA,
        pltpu.SemaphoreType.DMA,
        pltpu.SemaphoreType.DMA,
        pltpu.SemaphoreType.DMA,
        pltpu.SemaphoreType.DMA,
        pltpu.SemaphoreType.DMA,
    ],
)
def _sc_aggregate(y_hbm, ei_hbm, zeros_hbm, z0_hbm, z1_hbm,
                  src0_v, src1_v, dst0_v, dst1_v, rows0_v, rows1_v, z_sh,
                  gsem0, gsem1, ssem0, ssem1, dsem0, dsem1):
    c = lax.axis_index("c")
    s = lax.axis_index("s")
    w = c * NS + s
    r0 = s * ROWS_PER_TILE
    e0 = w * EW
    pltpu.sync_copy(zeros_hbm.at[pl.ds(r0, ROWS_PER_TILE)],
                    z_sh.at[pl.ds(r0, ROWS_PER_TILE)])
    src = (src0_v, src1_v)
    dst = (dst0_v, dst1_v)
    rows = (rows0_v, rows1_v)
    gsems = (gsem0, gsem1)
    ssems = (ssem0, ssem1)
    dsems = (dsem0, dsem1)
    pltpu.sync_copy(ei_hbm.at[0, pl.ds(e0, CHUNK)], src[0])
    pltpu.sync_copy(ei_hbm.at[1, pl.ds(e0, CHUNK)], dst[0])
    pltpu.async_copy(ei_hbm.at[0, pl.ds(e0 + CHUNK, CHUNK)], src[1], ssems[1])
    pltpu.async_copy(ei_hbm.at[1, pl.ds(e0 + CHUNK, CHUNK)], dst[1], dsems[1])
    plsc.subcore_barrier()
    pltpu.async_copy(y_hbm.at[src[0]], rows[0], gsems[0])

    @pl.loop(0, NCHUNK, step=2)
    def _loop(j):
        for b in range(2):
            i = j + b
            nb = 1 - b
            pltpu.make_async_copy(y_hbm.at[src[b]], rows[b], gsems[b]).wait()

            @pl.when(i + 1 < NCHUNK)
            def _():
                pltpu.make_async_copy(
                    ei_hbm.at[0, pl.ds(e0 + (i + 1) * CHUNK, CHUNK)],
                    src[nb], ssems[nb]).wait()
                pltpu.make_async_copy(
                    ei_hbm.at[1, pl.ds(e0 + (i + 1) * CHUNK, CHUNK)],
                    dst[nb], dsems[nb]).wait()
                pltpu.async_copy(y_hbm.at[src[nb]], rows[nb], gsems[nb])

            pltpu.sync_copy(rows[b], z_sh.at[dst[b]], add=True)

            @pl.when(i + 2 < NCHUNK)
            def _():
                pltpu.async_copy(
                    ei_hbm.at[0, pl.ds(e0 + (i + 2) * CHUNK, CHUNK)],
                    src[b], ssems[b])
                pltpu.async_copy(
                    ei_hbm.at[1, pl.ds(e0 + (i + 2) * CHUNK, CHUNK)],
                    dst[b], dsems[b])

    plsc.subcore_barrier()
    pltpu.sync_copy(ei_hbm.at[0, pl.ds(e0, CHUNK)], src[0])
    plsc.subcore_barrier()

    @pl.when(c == 0)
    def _():
        pltpu.sync_copy(z_sh.at[pl.ds(r0, ROWS_PER_TILE)],
                        z0_hbm.at[pl.ds(r0, ROWS_PER_TILE)])

    @pl.when(c == 1)
    def _():
        pltpu.sync_copy(z_sh.at[pl.ds(r0, ROWS_PER_TILE)],
                        z1_hbm.at[pl.ds(r0, ROWS_PER_TILE)])



_BLK = 1000
_GRID = N_NODES // _BLK


def _t0_body(dp0_ref, dp1_ref, x_ref, d_ref, y_ref):
    deg = dp0_ref[...] + dp1_ref[...] + 1.0
    d = lax.rsqrt(deg)
    d_ref[...] = d
    y_ref[...] = x_ref[...] * d


def _tc_scale(dp0, dp1, x):
    row = lambda i: (i, 0)
    return pl.pallas_call(
        _t0_body,
        grid=(_GRID,),
        in_specs=[
            pl.BlockSpec((_BLK, 1), row),
            pl.BlockSpec((_BLK, 1), row),
            pl.BlockSpec((_BLK, IN_CH), row),
        ],
        out_specs=[
            pl.BlockSpec((_BLK, 1), row),
            pl.BlockSpec((_BLK, IN_CH), row),
        ],
        out_shape=[
            jax.ShapeDtypeStruct((N_NODES, 1), jnp.float32),
            jax.ShapeDtypeStruct((N_NODES, IN_CH), jnp.float32),
        ],
    )(dp0.reshape(N_PAD, 1), dp1.reshape(N_PAD, 1), x)


def _t1_body(za_ref, zb_ref, y1_ref, d_ref, w1_ref, b1_ref, w2_ref, y2_ref):
    d = d_ref[...]
    m = (za_ref[...] + zb_ref[...] + y1_ref[...]) * d
    h = jnp.dot(m, w1_ref[...], preferred_element_type=jnp.float32)
    h = jnp.maximum(h + b1_ref[...], 0.0)
    g = jnp.dot(h, w2_ref[...], preferred_element_type=jnp.float32)
    y2_ref[...] = g * d


def _tc_mid(za, zb, y1, d, W1, b1, W2):
    row = lambda i: (i, 0)
    full = lambda i: (0, 0)
    return pl.pallas_call(
        _t1_body,
        grid=(_GRID,),
        in_specs=[
            pl.BlockSpec((_BLK, IN_CH), row),
            pl.BlockSpec((_BLK, IN_CH), row),
            pl.BlockSpec((_BLK, IN_CH), row),
            pl.BlockSpec((_BLK, 1), row),
            pl.BlockSpec((IN_CH, HID), full),
            pl.BlockSpec((1, HID), full),
            pl.BlockSpec((HID, OUT_CH), full),
        ],
        out_specs=pl.BlockSpec((_BLK, OUT_CH), row),
        out_shape=jax.ShapeDtypeStruct((N_NODES, OUT_CH), jnp.float32),
    )(za, zb, y1, d, W1, b1.reshape(1, HID), W2)


def _t2_body(za_ref, zb_ref, y2_ref, d_ref, b2_ref, out_ref):
    u = (za_ref[...] + zb_ref[...] + y2_ref[...]) * d_ref[...]
    out_ref[...] = u + b2_ref[...]


def _tc_final(za, zb, y2, d, b2):
    row = lambda i: (i, 0)
    full = lambda i: (0, 0)
    return pl.pallas_call(
        _t2_body,
        grid=(_GRID,),
        in_specs=[
            pl.BlockSpec((_BLK, OUT_CH), row),
            pl.BlockSpec((_BLK, OUT_CH), row),
            pl.BlockSpec((_BLK, OUT_CH), row),
            pl.BlockSpec((_BLK, 1), row),
            pl.BlockSpec((1, OUT_CH), full),
        ],
        out_specs=pl.BlockSpec((_BLK, OUT_CH), row),
        out_shape=jax.ShapeDtypeStruct((N_NODES, OUT_CH), jnp.float32),
    )(za, zb, y2, d, b2.reshape(1, OUT_CH))



@jax.jit
def kernel(x, edge_index, W1, b1, W2, b2):
    ei = edge_index.astype(jnp.int32)
    n_dummy = E_PAD - N_EDGES
    lin = jnp.arange(n_dummy, dtype=jnp.int32)
    pad = jnp.stack([lin % N_NODES, N_NODES + lin % (N_PAD - N_NODES)])
    ei = jnp.concatenate([ei, pad], axis=1)
    dst2 = ei[1].reshape(NW, NCHUNK, CHUNK)
    ones = jnp.ones((CHUNK,), jnp.float32)
    zeros1 = jnp.zeros((N_PAD,), jnp.float32)
    zeros128 = jnp.zeros((N_PAD, IN_CH), jnp.float32)

    dp0, dp1 = _sc_degree(dst2, ones, zeros1)
    d, y1 = _tc_scale(dp0, dp1, x)
    z1a, z1b = _sc_aggregate(y1, ei, zeros128)
    y2 = _tc_mid(z1a, z1b, y1, d, W1, b1, W2)
    z2a, z2b = _sc_aggregate(y2, ei, zeros128)
    return _tc_final(z2a, z2b, y2, d, b2)

# --- scband reference (transcript-rebuilt; emitter-appended) ---
"""Pipeline reference for scband-dfagraph-encoder-7876970020899 (READ-ONLY COPY).

The authoritative reference and input builder live on the scoring server;
editing this copy changes nothing except your own understanding.
"""

import jax, jax.numpy as jnp
import numpy as np

N_NODES = 10000
N_EDGES = 320000
IN_CH = 128
HID = 256
OUT_CH = 128


def gcn_conv(x, edge_index, W, b, num_nodes):
    # Faithful GCNConv: linear transform, add self-loops, symmetric normalization,
    # scatter-add aggregation by destination node, then bias.
    x = x @ W
    src = edge_index[0]
    dst = edge_index[1]
    loop = jnp.arange(num_nodes, dtype=src.dtype)
    src = jnp.concatenate([src, loop])
    dst = jnp.concatenate([dst, loop])
    ones = jnp.ones(src.shape[0], dtype=x.dtype)
    deg = jnp.zeros((num_nodes,), dtype=x.dtype).at[dst].add(ones)
    deg_inv_sqrt = jnp.where(deg > 0, 1.0 / jnp.sqrt(deg), 0.0)
    norm = deg_inv_sqrt[src] * deg_inv_sqrt[dst]
    msgs = x[src] * norm[:, None]
    out = jnp.zeros((num_nodes, x.shape[1]), dtype=x.dtype).at[dst].add(msgs)
    return out + b


def setup_inputs(seed: int = 0) -> dict:
    key = jax.random.key(seed)
    ks = jax.random.split(key, 6)
    x = jax.random.normal(ks[0], (N_NODES, IN_CH), dtype=jnp.float32)
    edge_index = jax.random.randint(ks[1], (2, N_EDGES), 0, N_NODES)
    W1 = jax.random.normal(ks[2], (IN_CH, HID), dtype=jnp.float32) / np.sqrt(IN_CH)
    b1 = jnp.zeros((HID,), dtype=jnp.float32)
    W2 = jax.random.normal(ks[3], (HID, OUT_CH), dtype=jnp.float32) / np.sqrt(HID)
    b2 = jnp.zeros((OUT_CH,), dtype=jnp.float32)
    return {"x": x, "edge_index": edge_index, "W1": W1, "b1": b1, "W2": W2, "b2": b2}


def reference(x, edge_index, W1, b1, W2, b2):
    # conv1 -> relu -> DFALayer (identity in forward) -> conv2 -> DFA wrapper (identity in forward)
    h = gcn_conv(x, edge_index, W1, b1, N_NODES)
    h = jax.nn.relu(h)
    out = gcn_conv(h, edge_index, W2, b2, N_NODES)
    return out

if __name__ == "__main__":
    import jax
    _d = setup_inputs()
    print(jax.jit(kernel)(*tuple(_d.values())))

</pallas_src>

<mosaic_0001>
#map = affine_map<(d0, d1) -> (0, 0, 0)>
#map1 = affine_map<(d0, d1) -> (0)>
module attributes {stable_mosaic.version = 14 : i64} {
  func.func @_sc_degree(%arg0: i32, %arg1: i32, %arg2: memref<32x80x128xi32, #tpu.memory_space<hbm>>, %arg3: memref<128xf32, #tpu.memory_space<hbm>>, %arg4: memref<10240xf32, #tpu.memory_space<hbm>>, %arg5: memref<10240xf32, #tpu.memory_space<hbm>>, %arg6: memref<10240xf32, #tpu.memory_space<hbm>>, %arg7: memref<80x128xi32, #tpu.memory_space<vmem>>, %arg8: memref<128xf32, #tpu.memory_space<vmem>>, %arg9: memref<10240xf32, #tpu.memory_space<vmem_shared>>, %arg10: memref<!tpu.dma_semaphore, #tpu.memory_space<semaphore_mem>>) attributes {dimension_semantics = [#tpu.dimension_semantics<core_parallel>, #tpu.dimension_semantics<subcore_parallel>], iteration_bounds = array<i64: 2, 16>, scalar_prefetch = 0 : i64, scratch_operands = 4 : i64, tpu.core_type = #tpu.core_type<sc_vector_subcore>, window_params = [{transform_indices = #map}, {transform_indices = #map1}, {transform_indices = #map1}, {transform_indices = #map1}, {transform_indices = #map1}]} {
    %mul3A = arith.constant 16 : i32
    %mul3A_0 = arith.muli %arg0, %mul3A : i32
    %add3A = arith.addi %mul3A_0, %arg1 : i32
    %mul3A_1 = arith.constant 640 : i32
    %mul3A_2 = arith.muli %arg1, %mul3A_1 : i32
    "tpu.region"() ({
      %run_scoped3A_17 = tpu.sem_alloc : memref<!tpu.dma_semaphore, #tpu.memory_space<semaphore_mem>>
      %dma_start3A = tpu.memref_slice %arg9[%mul3A_2] : memref<10240xf32, #tpu.memory_space<vmem_shared>> -> memref<640xf32, #tpu.memory_space<vmem_shared>>
      %dma_start3A_18 = tpu.memref_slice %arg4[%mul3A_2] : memref<10240xf32, #tpu.memory_space<hbm>> -> memref<640xf32, #tpu.memory_space<hbm>>
      tpu.enqueue_dma source(%dma_start3A_18 : memref<640xf32, #tpu.memory_space<hbm>>) target(%dma_start3A : memref<640xf32, #tpu.memory_space<vmem_shared>>) target_semaphore(%run_scoped3A_17 : memref<!tpu.dma_semaphore, #tpu.memory_space<semaphore_mem>>)
      %dma_wait3A = tpu.memref_slice %arg9[%mul3A_2] : memref<10240xf32, #tpu.memory_space<vmem_shared>> -> memref<640xf32, #tpu.memory_space<vmem_shared>>
      %dma_wait3A_19 = tpu.memref_slice %arg4[%mul3A_2] : memref<10240xf32, #tpu.memory_space<hbm>> -> memref<640xf32, #tpu.memory_space<hbm>>
      tpu.wait_dma2 semaphore(%run_scoped3A_17 : memref<!tpu.dma_semaphore, #tpu.memory_space<semaphore_mem>>) src(%dma_wait3A_19 : memref<640xf32, #tpu.memory_space<hbm>>) dst(%dma_wait3A : memref<640xf32, #tpu.memory_space<vmem_shared>>)
      tpu.yield
    }) : () -> ()
    "tpu.region"() ({
      %run_scoped3A_17 = tpu.sem_alloc : memref<!tpu.dma_semaphore, #tpu.memory_space<semaphore_mem>>
      tpu.enqueue_dma source(%arg3 : memref<128xf32, #tpu.memory_space<hbm>>) target(%arg8 : memref<128xf32, #tpu.memory_space<vmem>>) target_semaphore(%run_scoped3A_17 : memref<!tpu.dma_semaphore, #tpu.memory_space<semaphore_mem>>)
      tpu.wait_dma2 semaphore(%run_scoped3A_17 : memref<!tpu.dma_semaphore, #tpu.memory_space<semaphore_mem>>) src(%arg3 : memref<128xf32, #tpu.memory_space<hbm>>) dst(%arg8 : memref<128xf32, #tpu.memory_space<vmem>>)
      tpu.yield
    }) : () -> ()
    "tpu.region"() ({
      %run_scoped3A_17 = tpu.sem_alloc : memref<!tpu.dma_semaphore, #tpu.memory_space<semaphore_mem>>
      %dma_start3A = arith.constant 0 : i32
      %dma_start3A_18 = arith.constant 0 : i32
      %dma_start3A_19 = tpu.memref_slice %arg2[%add3A, %dma_start3A, %dma_start3A_18] : memref<32x80x128xi32, #tpu.memory_space<hbm>> -> memref<1x80x128xi32, #tpu.memory_space<hbm>>
      %dma_start3A_20 = tpu.memref_squeeze %dma_start3A_19 : memref<1x80x128xi32, #tpu.memory_space<hbm>> -> memref<80x128xi32, #tpu.memory_space<hbm>>
      %dma_start3A_21 = arith.constant 0 : i32
      %dma_start3A_22 = arith.constant 0 : i32
      %dma_start3A_23 = tpu.memref_slice %arg2[%add3A, %dma_start3A_21, %dma_start3A_22] : memref<32x80x128xi32, #tpu.memory_space<hbm>> -> memref<1x80x128xi32, #tpu.memory_space<hbm>>
      %dma_start3A_24 = tpu.memref_squeeze %dma_start3A_23 : memref<1x80x128xi32, #tpu.memory_space<hbm>> -> memref<80x128xi32, #tpu.memory_space<hbm>>
      tpu.enqueue_dma source(%dma_start3A_24 : memref<80x128xi32, #tpu.memory_space<hbm>>) target(%arg7 : memref<80x128xi32, #tpu.memory_space<vmem>>) target_semaphore(%run_scoped3A_17 : memref<!tpu.dma_semaphore, #tpu.memory_space<semaphore_mem>>)
      %dma_wait3A = arith.constant 0 : i32
      %dma_wait3A_25 = arith.constant 0 : i32
      %dma_wait3A_26 = tpu.memref_slice %arg2[%add3A, %dma_wait3A, %dma_wait3A_25] : memref<32x80x128xi32, #tpu.memory_space<hbm>> -> memref<1x80x128xi32, #tpu.memory_space<hbm>>
      %dma_wait3A_27 = tpu.memref_squeeze %dma_wait3A_26 : memref<1x80x128xi32, #tpu.memory_space<hbm>> -> memref<80x128xi32, #tpu.memory_space<hbm>>
      %dma_wait3A_28 = arith.constant 0 : i32
      %dma_wait3A_29 = arith.constant 0 : i32
      %dma_wait3A_30 = tpu.memref_slice %arg2[%add3A, %dma_wait3A_28, %dma_wait3A_29] : memref<32x80x128xi32, #tpu.memory_space<hbm>> -> memref<1x80x128xi32, #tpu.memory_space<hbm>>
      %dma_wait3A_31 = tpu.memref_squeeze %dma_wait3A_30 : memref<1x80x128xi32, #tpu.memory_space<hbm>> -> memref<80x128xi32, #tpu.memory_space<hbm>>
      tpu.wait_dma2 semaphore(%run_scoped3A_17 : memref<!tpu.dma_semaphore, #tpu.memory_space<semaphore_mem>>) src(%dma_wait3A_31 : memref<80x128xi32, #tpu.memory_space<hbm>>) dst(%arg7 : memref<80x128xi32, #tpu.memory_space<vmem>>)
      tpu.yield
    }) : () -> ()
    %barrier3A = arith.constant 0 : index
    tpu.barrier barrier_id(%barrier3A)
    %scan3A = arith.constant 0 : i32
    %scan3A_3 = arith.constant 80 : i32
    %scan3A_4 = arith.addi %scan3A, %scan3A_3 : i32
    %scan3A_5 = arith.constant 1 : i32
    scf.for %scan3A_17 = %scan3A to %scan3A_4 step %scan3A_5  : i32 {
      %mul3A_18 = arith.constant 1 : i32
      %mul3A_19 = arith.muli %scan3A_17, %mul3A_18 : i32
      %add3A_20 = arith.constant 0 : i32
      %add3A_21 = arith.addi %add3A_20, %mul3A_19 : i32
      "tpu.region"() ({
        %run_scoped3A_22 = tpu.sem_alloc : memref<!tpu.dma_semaphore, #tpu.memory_space<semaphore_mem>>
        %dma_start3A = arith.constant 0 : i32
        %dma_start3A_23 = tpu.memref_slice %arg7[%add3A_21, %dma_start3A] : memref<80x128xi32, #tpu.memory_space<vmem>> -> memref<1x128xi32, #tpu.memory_space<vmem>>
        %dma_start3A_24 = tpu.memref_squeeze %dma_start3A_23 : memref<1x128xi32, #tpu.memory_space<vmem>> -> memref<128xi32, #tpu.memory_space<vmem>>
        %dma_start3A_25 = arith.constant 0 : i32
        %dma_start3A_26 = tpu.memref_slice %arg9[%dma_start3A_25] : memref<10240xf32, #tpu.memory_space<vmem_shared>> -> memref<10240xf32, #tpu.memory_space<vmem_shared>>
        tpu.enqueue_indirect_dma source(%arg8 : memref<128xf32, #tpu.memory_space<vmem>>) target(%dma_start3A_26 : memref<10240xf32, #tpu.memory_space<vmem_shared>>) offsets(%dma_start3A_24 : memref<128xi32, #tpu.memory_space<vmem>>) semaphore(%run_scoped3A_22 : memref<!tpu.dma_semaphore, #tpu.memory_space<semaphore_mem>>) {add = true}
        %dma_wait3A = arith.constant 0 : i32
        %dma_wait3A_27 = tpu.memref_slice %arg7[%add3A_21, %dma_wait3A] : memref<80x128xi32, #tpu.memory_space<vmem>> -> memref<1x128xi32, #tpu.memory_space<vmem>>
        %dma_wait3A_28 = tpu.memref_squeeze %dma_wait3A_27 : memref<1x128xi32, #tpu.memory_space<vmem>> -> memref<128xi32, #tpu.memory_space<vmem>>
        %dma_wait3A_29 = arith.constant 0 : i32
        %dma_wait3A_30 = tpu.memref_slice %arg9[%dma_wait3A_29] : memref<10240xf32, #tpu.memory_space<vmem_shared>> -> memref<10240xf32, #tpu.memory_space<vmem_shared>>
        tpu.wait_indirect_dma semaphore(%run_scoped3A_22 : memref<!tpu.dma_semaphore, #tpu.memory_space<semaphore_mem>>) src(%arg8 : memref<128xf32, #tpu.memory_space<vmem>>) dst(%dma_wait3A_30 : memref<10240xf32, #tpu.memory_space<vmem_shared>>)
        tpu.yield
      }) : () -> ()
    }
    %scan3A_6 = arith.constant 80 : i32
    %barrier3A_7 = arith.constant 0 : index
    tpu.barrier barrier_id(%barrier3A_7)
    %run_scoped3A = arith.constant 0 : i32
    %run_scoped3A_8 = arith.constant 0 : i32
    "tpu.region"() ({
      %run_scoped3A_17 = tpu.sem_alloc : memref<!tpu.dma_semaphore, #tpu.memory_space<semaphore_mem>>
      %dma_start3A = arith.constant 0 : i32
      %dma_start3A_18 = tpu.memref_slice %arg7[%run_scoped3A_8, %dma_start3A] : memref<80x128xi32, #tpu.memory_space<vmem>> -> memref<1x128xi32, #tpu.memory_space<vmem>>
      %dma_start3A_19 = tpu.memref_squeeze %dma_start3A_18 : memref<1x128xi32, #tpu.memory_space<vmem>> -> memref<128xi32, #tpu.memory_space<vmem>>
      %dma_start3A_20 = arith.constant 0 : i32
      %dma_start3A_21 = tpu.memref_slice %arg2[%add3A, %run_scoped3A, %dma_start3A_20] : memref<32x80x128xi32, #tpu.memory_space<hbm>> -> memref<1x1x128xi32, #tpu.memory_space<hbm>>
      %dma_start3A_22 = tpu.memref_squeeze %dma_start3A_21 : memref<1x1x128xi32, #tpu.memory_space<hbm>> -> memref<128xi32, #tpu.memory_space<hbm>>
      %dma_start3A_23 = arith.constant 0 : i32
      %dma_start3A_24 = tpu.memref_slice %arg7[%run_scoped3A_8, %dma_start3A_23] : memref<80x128xi32, #tpu.memory_space<vmem>> -> memref<1x128xi32, #tpu.memory_space<vmem>>
      %dma_start3A_25 = tpu.memref_squeeze %dma_start3A_24 : memref<1x128xi32, #tpu.memory_space<vmem>> -> memref<128xi32, #tpu.memory_space<vmem>>
      %dma_start3A_26 = arith.constant 0 : i32
      %dma_start3A_27 = tpu.memref_slice %arg2[%add3A, %run_scoped3A, %dma_start3A_26] : memref<32x80x128xi32, #tpu.memory_space<hbm>> -> memref<1x1x128xi32, #tpu.memory_space<hbm>>
      %dma_start3A_28 = tpu.memref_squeeze %dma_start3A_27 : memref<1x1x128xi32, #tpu.memory_space<hbm>> -> memref<128xi32, #tpu.memory_space<hbm>>
      tpu.enqueue_dma source(%dma_start3A_28 : memref<128xi32, #tpu.memory_space<hbm>>) target(%dma_start3A_25 : memref<128xi32, #tpu.memory_space<vmem>>) target_semaphore(%run_scoped3A_17 : memref<!tpu.dma_semaphore, #tpu.memory_space<semaphore_mem>>)
      %dma_wait3A = arith.constant 0 : i32
      %dma_wait3A_29 = tpu.memref_slice %arg7[%run_scoped3A_8, %dma_wait3A] : memref<80x128xi32, #tpu.memory_space<vmem>> -> memref<1x128xi32, #tpu.memory_space<vmem>>
      %dma_wait3A_30 = tpu.memref_squeeze %dma_wait3A_29 : memref<1x128xi32, #tpu.memory_space<vmem>> -> memref<128xi32, #tpu.memory_space<vmem>>
      %dma_wait3A_31 = arith.constant 0 : i32
      %dma_wait3A_32 = tpu.memref_slice %arg2[%add3A, %run_scoped3A, %dma_wait3A_31] : memref<32x80x128xi32, #tpu.memory_space<hbm>> -> memref<1x1x128xi32, #tpu.memory_space<hbm>>
      %dma_wait3A_33 = tpu.memref_squeeze %dma_wait3A_32 : memref<1x1x128xi32, #tpu.memory_space<hbm>> -> memref<128xi32, #tpu.memory_space<hbm>>
      %dma_wait3A_34 = arith.constant 0 : i32
      %dma_wait3A_35 = tpu.memref_slice %arg7[%run_scoped3A_8, %dma_wait3A_34] : memref<80x128xi32, #tpu.memory_space<vmem>> -> memref<1x128xi32, #tpu.memory_space<vmem>>
      %dma_wait3A_36 = tpu.memref_squeeze %dma_wait3A_35 : memref<1x128xi32, #tpu.memory_space<vmem>> -> memref<128xi32, #tpu.memory_space<vmem>>
      %dma_wait3A_37 = arith.constant 0 : i32
      %dma_wait3A_38 = tpu.memref_slice %arg2[%add3A, %run_scoped3A, %dma_wait3A_37] : memref<32x80x128xi32, #tpu.memory_space<hbm>> -> memref<1x1x128xi32, #tpu.memory_space<hbm>>
      %dma_wait3A_39 = tpu.memref_squeeze %dma_wait3A_38 : memref<1x1x128xi32, #tpu.memory_space<hbm>> -> memref<128xi32, #tpu.memory_space<hbm>>
      tpu.wait_dma2 semaphore(%run_scoped3A_17 : memref<!tpu.dma_semaphore, #tpu.memory_space<semaphore_mem>>) src(%dma_wait3A_39 : memref<128xi32, #tpu.memory_space<hbm>>) dst(%dma_wait3A_36 : memref<128xi32, #tpu.memory_space<vmem>>)
      tpu.yield
    }) : () -> ()
    %barrier3A_9 = arith.constant 0 : index
    tpu.barrier barrier_id(%barrier3A_9)
    %eq3A = arith.constant 0 : i32
    %eq3A_10 = arith.cmpi eq, %arg0, %eq3A : i32
    %convert_element_type3A = arith.extui %eq3A_10 : i1 to i32
    %cond3A = arith.constant 0 : i32
    %cond3A_11 = arith.cmpi ne, %convert_element_type3A, %cond3A : i32
    scf.if %cond3A_11 {
      "tpu.region"() ({
        %run_scoped3A_17 = tpu.sem_alloc : memref<!tpu.dma_semaphore, #tpu.memory_space<semaphore_mem>>
        %dma_start3A = tpu.memref_slice %arg5[%mul3A_2] : memref<10240xf32, #tpu.memory_space<hbm>> -> memref<640xf32, #tpu.memory_space<hbm>>
        %dma_start3A_18 = tpu.memref_slice %arg9[%mul3A_2] : memref<10240xf32, #tpu.memory_space<vmem_shared>> -> memref<640xf32, #tpu.memory_space<vmem_shared>>
        tpu.enqueue_dma source(%dma_start3A_18 : memref<640xf32, #tpu.memory_space<vmem_shared>>) target(%dma_start3A : memref<640xf32, #tpu.memory_space<hbm>>) target_semaphore(%run_scoped3A_17 : memref<!tpu.dma_semaphore, #tpu.memory_space<semaphore_mem>>)
        %dma_wait3A = tpu.memref_slice %arg5[%mul3A_2] : memref<10240xf32, #tpu.memory_space<hbm>> -> memref<640xf32, #tpu.memory_space<hbm>>
        %dma_wait3A_19 = tpu.memref_slice %arg9[%mul3A_2] : memref<10240xf32, #tpu.memory_space<vmem_shared>> -> memref<640xf32, #tpu.memory_space<vmem_shared>>
        tpu.wait_dma2 semaphore(%run_scoped3A_17 : memref<!tpu.dma_semaphore, #tpu.memory_space<semaphore_mem>>) src(%dma_wait3A_19 : memref<640xf32, #tpu.memory_space<vmem_shared>>) dst(%dma_wait3A : memref<640xf32, #tpu.memory_space<hbm>>)
        tpu.yield
      }) : () -> ()
    } else {
    }
    %eq3A_12 = arith.constant 1 : i32
    %eq3A_13 = arith.cmpi eq, %arg0, %eq3A_12 : i32
    %convert_element_type3A_14 = arith.extui %eq3A_13 : i1 to i32
    %cond3A_15 = arith.constant 0 : i32
    %cond3A_16 = arith.cmpi ne, %convert_element_type3A_14, %cond3A_15 : i32
    scf.if %cond3A_16 {
      "tpu.region"() ({
        %run_scoped3A_17 = tpu.sem_alloc : memref<!tpu.dma_semaphore, #tpu.memory_space<semaphore_mem>>
        %dma_start3A = tpu.memref_slice %arg6[%mul3A_2] : memref<10240xf32, #tpu.memory_space<hbm>> -> memref<640xf32, #tpu.memory_space<hbm>>
        %dma_start3A_18 = tpu.memref_slice %arg9[%mul3A_2] : memref<10240xf32, #tpu.memory_space<vmem_shared>> -> memref<640xf32, #tpu.memory_space<vmem_shared>>
        tpu.enqueue_dma source(%dma_start3A_18 : memref<640xf32, #tpu.memory_space<vmem_shared>>) target(%dma_start3A : memref<640xf32, #tpu.memory_space<hbm>>) target_semaphore(%run_scoped3A_17 : memref<!tpu.dma_semaphore, #tpu.memory_space<semaphore_mem>>)
        %dma_wait3A = tpu.memref_slice %arg6[%mul3A_2] : memref<10240xf32, #tpu.memory_space<hbm>> -> memref<640xf32, #tpu.memory_space<hbm>>
        %dma_wait3A_19 = tpu.memref_slice %arg9[%mul3A_2] : memref<10240xf32, #tpu.memory_space<vmem_shared>> -> memref<640xf32, #tpu.memory_space<vmem_shared>>
        tpu.wait_dma2 semaphore(%run_scoped3A_17 : memref<!tpu.dma_semaphore, #tpu.memory_space<semaphore_mem>>) src(%dma_wait3A_19 : memref<640xf32, #tpu.memory_space<vmem_shared>>) dst(%dma_wait3A : memref<640xf32, #tpu.memory_space<hbm>>)
        tpu.yield
      }) : () -> ()
    } else {
    }
    return
  }
}

#map = affine_map<(d0, d1) -> (0, 0)>
module attributes {stable_mosaic.version = 14 : i64} {
  func.func @_sc_aggregate(%arg0: i32, %arg1: i32, %arg2: memref<10000x128xf32, #tpu.memory_space<hbm>>, %arg3: memref<2x327680xi32, #tpu.memory_space<hbm>>, %arg4: memref<10240x128xf32, #tpu.memory_space<hbm>>, %arg5: memref<10240x128xf32, #tpu.memory_space<hbm>>, %arg6: memref<10240x128xf32, #tpu.memory_space<hbm>>, %arg7: memref<128xi32, #tpu.memory_space<vmem>>, %arg8: memref<128xi32, #tpu.memory_space<vmem>>, %arg9: memref<128xi32, #tpu.memory_space<vmem>>, %arg10: memref<128xi32, #tpu.memory_space<vmem>>, %arg11: memref<128x128xf32, #tpu.memory_space<vmem>>, %arg12: memref<128x128xf32, #tpu.memory_space<vmem>>, %arg13: memref<10240x128xf32, #tpu.memory_space<vmem_shared>>, %arg14: memref<!tpu.dma_semaphore, #tpu.memory_space<semaphore_mem>>, %arg15: memref<!tpu.dma_semaphore, #tpu.memory_space<semaphore_mem>>, %arg16: memref<!tpu.dma_semaphore, #tpu.memory_space<semaphore_mem>>, %arg17: memref<!tpu.dma_semaphore, #tpu.memory_space<semaphore_mem>>, %arg18: memref<!tpu.dma_semaphore, #tpu.memory_space<semaphore_mem>>, %arg19: memref<!tpu.dma_semaphore, #tpu.memory_space<semaphore_mem>>) attributes {dimension_semantics = [#tpu.dimension_semantics<core_parallel>, #tpu.dimension_semantics<subcore_parallel>], iteration_bounds = array<i64: 2, 16>, scalar_prefetch = 0 : i64, scratch_operands = 13 : i64, tpu.core_type = #tpu.core_type<sc_vector_subcore>, window_params = [{transform_indices = #map}, {transform_indices = #map}, {transform_indices = #map}, {transform_indices = #map}, {transform_indices = #map}]} {
    %mul3A = arith.constant 16 : i32
    %mul3A_0 = arith.muli %arg0, %mul3A : i32
    %add3A = arith.addi %mul3A_0, %arg1 : i32
    %mul3A_1 = arith.constant 640 : i32
    %mul3A_2 = arith.muli %arg1, %mul3A_1 : i32
    %mul3A_3 = arith.constant 10240 : i32
    %mul3A_4 = arith.muli %add3A, %mul3A_3 : i32
    "tpu.region"() ({
      %run_scoped3A_36 = tpu.sem_alloc : memref<!tpu.dma_semaphore, #tpu.memory_space<semaphore_mem>>
      %dma_start3A_37 = arith.constant 0 : i32
      %dma_start3A_38 = tpu.memref_slice %arg13[%mul3A_2, %dma_start3A_37] : memref<10240x128xf32, #tpu.memory_space<vmem_shared>> -> memref<640x128xf32, #tpu.memory_space<vmem_shared>>
      %dma_start3A_39 = arith.constant 0 : i32
      %dma_start3A_40 = tpu.memref_slice %arg4[%mul3A_2, %dma_start3A_39] : memref<10240x128xf32, #tpu.memory_space<hbm>> -> memref<640x128xf32, #tpu.memory_space<hbm>>
      tpu.enqueue_dma source(%dma_start3A_40 : memref<640x128xf32, #tpu.memory_space<hbm>>) target(%dma_start3A_38 : memref<640x128xf32, #tpu.memory_space<vmem_shared>>) target_semaphore(%run_scoped3A_36 : memref<!tpu.dma_semaphore, #tpu.memory_space<semaphore_mem>>)
      %dma_wait3A = arith.constant 0 : i32
      %dma_wait3A_41 = tpu.memref_slice %arg13[%mul3A_2, %dma_wait3A] : memref<10240x128xf32, #tpu.memory_space<vmem_shared>> -> memref<640x128xf32, #tpu.memory_space<vmem_shared>>
      %dma_wait3A_42 = arith.constant 0 : i32
      %dma_wait3A_43 = tpu.memref_slice %arg4[%mul3A_2, %dma_wait3A_42] : memref<10240x128xf32, #tpu.memory_space<hbm>> -> memref<640x128xf32, #tpu.memory_space<hbm>>
      tpu.wait_dma2 semaphore(%run_scoped3A_36 : memref<!tpu.dma_semaphore, #tpu.memory_space<semaphore_mem>>) src(%dma_wait3A_43 : memref<640x128xf32, #tpu.memory_space<hbm>>) dst(%dma_wait3A_41 : memref<640x128xf32, #tpu.memory_space<vmem_shared>>)
      tpu.yield
    }) : () -> ()
    %run_scoped3A = arith.constant 0 : i32
    "tpu.region"() ({
      %run_scoped3A_36 = tpu.sem_alloc : memref<!tpu.dma_semaphore, #tpu.memory_space<semaphore_mem>>
      %dma_start3A_37 = tpu.memref_slice %arg3[%run_scoped3A, %mul3A_4] : memref<2x327680xi32, #tpu.memory_space<hbm>> -> memref<1x128xi32, #tpu.memory_space<hbm>>
      %dma_start3A_38 = tpu.memref_squeeze %dma_start3A_37 : memref<1x128xi32, #tpu.memory_space<hbm>> -> memref<128xi32, #tpu.memory_space<hbm>>
      %dma_start3A_39 = tpu.memref_slice %arg3[%run_scoped3A, %mul3A_4] : memref<2x327680xi32, #tpu.memory_space<hbm>> -> memref<1x128xi32, #tpu.memory_space<hbm>>
      %dma_start3A_40 = tpu.memref_squeeze %dma_start3A_39 : memref<1x128xi32, #tpu.memory_space<hbm>> -> memref<128xi32, #tpu.memory_space<hbm>>
      tpu.enqueue_dma source(%dma_start3A_40 : memref<128xi32, #tpu.memory_space<hbm>>) target(%arg7 : memref<128xi32, #tpu.memory_space<vmem>>) target_semaphore(%run_scoped3A_36 : memref<!tpu.dma_semaphore, #tpu.memory_space<semaphore_mem>>)
      %dma_wait3A = tpu.memref_slice %arg3[%run_scoped3A, %mul3A_4] : memref<2x327680xi32, #tpu.memory_space<hbm>> -> memref<1x128xi32, #tpu.memory_space<hbm>>
      %dma_wait3A_41 = tpu.memref_squeeze %dma_wait3A : memref<1x128xi32, #tpu.memory_space<hbm>> -> memref<128xi32, #tpu.memory_space<hbm>>
      %dma_wait3A_42 = tpu.memref_slice %arg3[%run_scoped3A, %mul3A_4] : memref<2x327680xi32, #tpu.memory_space<hbm>> -> memref<1x128xi32, #tpu.memory_space<hbm>>
      %dma_wait3A_43 = tpu.memref_squeeze %dma_wait3A_42 : memref<1x128xi32, #tpu.memory_space<hbm>> -> memref<128xi32, #tpu.memory_space<hbm>>
      tpu.wait_dma2 semaphore(%run_scoped3A_36 : memref<!tpu.dma_semaphore, #tpu.memory_space<semaphore_mem>>) src(%dma_wait3A_43 : memref<128xi32, #tpu.memory_space<hbm>>) dst(%arg7 : memref<128xi32, #tpu.memory_space<vmem>>)
      tpu.yield
    }) : () -> ()
    %run_scoped3A_5 = arith.constant 1 : i32
    "tpu.region"() ({
      %run_scoped3A_36 = tpu.sem_alloc : memref<!tpu.dma_semaphore, #tpu.memory_space<semaphore_mem>>
      %dma_start3A_37 = tpu.memref_slice %arg3[%run_scoped3A_5, %mul3A_4] : memref<2x327680xi32, #tpu.memory_space<hbm>> -> memref<1x128xi32, #tpu.memory_space<hbm>>
      %dma_start3A_38 = tpu.memref_squeeze %dma_start3A_37 : memref<1x128xi32, #tpu.memory_space<hbm>> -> memref<128xi32, #tpu.memory_space<hbm>>
      %dma_start3A_39 = tpu.memref_slice %arg3[%run_scoped3A_5, %mul3A_4] : memref<2x327680xi32, #tpu.memory_space<hbm>> -> memref<1x128xi32, #tpu.memory_space<hbm>>
      %dma_start3A_40 = tpu.memref_squeeze %dma_start3A_39 : memref<1x128xi32, #tpu.memory_space<hbm>> -> memref<128xi32, #tpu.memory_space<hbm>>
      tpu.enqueue_dma source(%dma_start3A_40 : memref<128xi32, #tpu.memory_space<hbm>>) target(%arg9 : memref<128xi32, #tpu.memory_space<vmem>>) target_semaphore(%run_scoped3A_36 : memref<!tpu.dma_semaphore, #tpu.memory_space<semaphore_mem>>)
      %dma_wait3A = tpu.memref_slice %arg3[%run_scoped3A_5, %mul3A_4] : memref<2x327680xi32, #tpu.memory_space<hbm>> -> memref<1x128xi32, #tpu.memory_space<hbm>>
      %dma_wait3A_41 = tpu.memref_squeeze %dma_wait3A : memref<1x128xi32, #tpu.memory_space<hbm>> -> memref<128xi32, #tpu.memory_space<hbm>>
      %dma_wait3A_42 = tpu.memref_slice %arg3[%run_scoped3A_5, %mul3A_4] : memref<2x327680xi32, #tpu.memory_space<hbm>> -> memref<1x128xi32, #tpu.memory_space<hbm>>
      %dma_wait3A_43 = tpu.memref_squeeze %dma_wait3A_42 : memref<1x128xi32, #tpu.memory_space<hbm>> -> memref<128xi32, #tpu.memory_space<hbm>>
      tpu.wait_dma2 semaphore(%run_scoped3A_36 : memref<!tpu.dma_semaphore, #tpu.memory_space<semaphore_mem>>) src(%dma_wait3A_43 : memref<128xi32, #tpu.memory_space<hbm>>) dst(%arg9 : memref<128xi32, #tpu.memory_space<vmem>>)
      tpu.yield
    }) : () -> ()
    %add3A_6 = arith.constant 128 : i32
    %add3A_7 = arith.addi %mul3A_4, %add3A_6 : i32
    %dma_start3A = arith.constant 0 : i32
    %dma_start3A_8 = tpu.memref_slice %arg3[%dma_start3A, %add3A_7] : memref<2x327680xi32, #tpu.memory_space<hbm>> -> memref<1x128xi32, #tpu.memory_space<hbm>>
    %dma_start3A_9 = tpu.memref_squeeze %dma_start3A_8 : memref<1x128xi32, #tpu.memory_space<hbm>> -> memref<128xi32, #tpu.memory_space<hbm>>
    %dma_start3A_10 = tpu.memref_slice %arg3[%dma_start3A, %add3A_7] : memref<2x327680xi32, #tpu.memory_space<hbm>> -> memref<1x128xi32, #tpu.memory_space<hbm>>
    %dma_start3A_11 = tpu.memref_squeeze %dma_start3A_10 : memref<1x128xi32, #tpu.memory_space<hbm>> -> memref<128xi32, #tpu.memory_space<hbm>>
    tpu.enqueue_dma source(%dma_start3A_11 : memref<128xi32, #tpu.memory_space<hbm>>) target(%arg8 : memref<128xi32, #tpu.memory_space<vmem>>) target_semaphore(%arg17 : memref<!tpu.dma_semaphore, #tpu.memory_space<semaphore_mem>>)
    %add3A_12 = arith.constant 128 : i32
    %add3A_13 = arith.addi %mul3A_4, %add3A_12 : i32
    %dma_start3A_14 = arith.constant 1 : i32
    %dma_start3A_15 = tpu.memref_slice %arg3[%dma_start3A_14, %add3A_13] : memref<2x327680xi32, #tpu.memory_space<hbm>> -> memref<1x128xi32, #tpu.memory_space<hbm>>
    %dma_start3A_16 = tpu.memref_squeeze %dma_start3A_15 : memref<1x128xi32, #tpu.memory_space<hbm>> -> memref<128xi32, #tpu.memory_space<hbm>>
    %dma_start3A_17 = tpu.memref_slice %arg3[%dma_start3A_14, %add3A_13] : memref<2x327680xi32, #tpu.memory_space<hbm>> -> memref<1x128xi32, #tpu.memory_space<hbm>>
    %dma_start3A_18 = tpu.memref_squeeze %dma_start3A_17 : memref<1x128xi32, #tpu.memory_space<hbm>> -> memref<128xi32, #tpu.memory_space<hbm>>
    tpu.enqueue_dma source(%dma_start3A_18 : memref<128xi32, #tpu.memory_space<hbm>>) target(%arg10 : memref<128xi32, #tpu.memory_space<vmem>>) target_semaphore(%arg19 : memref<!tpu.dma_semaphore, #tpu.memory_space<semaphore_mem>>)
    %barrier3A = arith.constant 0 : index
    tpu.barrier barrier_id(%barrier3A)
    %dma_start3A_19 = arith.constant 0 : i32
    %dma_start3A_20 = arith.constant 0 : i32
    %dma_start3A_21 = tpu.memref_slice %arg2[%dma_start3A_19, %dma_start3A_20] : memref<10000x128xf32, #tpu.memory_space<hbm>> -> memref<10000x128xf32, #tpu.memory_space<hbm>>
    tpu.enqueue_indirect_dma source(%dma_start3A_21 : memref<10000x128xf32, #tpu.memory_space<hbm>>) target(%arg11 : memref<128x128xf32, #tpu.memory_space<vmem>>) offsets(%arg7 : memref<128xi32, #tpu.memory_space<vmem>>) semaphore(%arg14 : memref<!tpu.dma_semaphore, #tpu.memory_space<semaphore_mem>>)
    %scan3A = arith.constant 0 : i32
    %scan3A_22 = arith.constant 40 : i32
    %scan3A_23 = arith.addi %scan3A, %scan3A_22 : i32
    %scan3A_24 = arith.constant 1 : i32
    scf.for %scan3A_36 = %scan3A to %scan3A_23 step %scan3A_24  : i32 {
      %mul3A_37 = arith.constant 2 : i32
      %mul3A_38 = arith.muli %scan3A_36, %mul3A_37 : i32
      %add3A_39 = arith.constant 0 : i32
      %add3A_40 = arith.addi %add3A_39, %mul3A_38 : i32
      %add3A_41 = arith.constant 0 : i32
      %add3A_42 = arith.addi %add3A_40, %add3A_41 : i32
      %dma_wait3A = arith.constant 0 : i32
      %dma_wait3A_43 = arith.constant 0 : i32
      %dma_wait3A_44 = tpu.memref_slice %arg2[%dma_wait3A, %dma_wait3A_43] : memref<10000x128xf32, #tpu.memory_space<hbm>> -> memref<10000x128xf32, #tpu.memory_space<hbm>>
      tpu.wait_indirect_dma semaphore(%arg14 : memref<!tpu.dma_semaphore, #tpu.memory_space<semaphore_mem>>) src(%dma_wait3A_44 : memref<10000x128xf32, #tpu.memory_space<hbm>>) dst(%arg11 : memref<128x128xf32, #tpu.memory_space<vmem>>)
      %add3A_45 = arith.constant 1 : i32
      %add3A_46 = arith.addi %add3A_42, %add3A_45 : i32
      %lt3A = arith.constant 80 : i32
      %lt3A_47 = arith.cmpi slt, %add3A_46, %lt3A : i32
      %convert_element_type3A_48 = arith.extui %lt3A_47 : i1 to i32
      %cond3A_49 = arith.constant 0 : i32
      %cond3A_50 = arith.cmpi ne, %convert_element_type3A_48, %cond3A_49 : i32
      scf.if %cond3A_50 {
        %add3A_77 = arith.constant 1 : i32
        %add3A_78 = arith.addi %add3A_42, %add3A_77 : i32
        %mul3A_79 = arith.constant 128 : i32
        %mul3A_80 = arith.muli %add3A_78, %mul3A_79 : i32
        %add3A_81 = arith.addi %mul3A_4, %mul3A_80 : i32
        %dma_wait3A_82 = arith.constant 0 : i32
        %dma_wait3A_83 = tpu.memref_slice %arg3[%dma_wait3A_82, %add3A_81] : memref<2x327680xi32, #tpu.memory_space<hbm>> -> memref<1x128xi32, #tpu.memory_space<hbm>>
        %dma_wait3A_84 = tpu.memref_squeeze %dma_wait3A_83 : memref<1x128xi32, #tpu.memory_space<hbm>> -> memref<128xi32, #tpu.memory_space<hbm>>
        %dma_wait3A_85 = tpu.memref_slice %arg3[%dma_wait3A_82, %add3A_81] : memref<2x327680xi32, #tpu.memory_space<hbm>> -> memref<1x128xi32, #tpu.memory_space<hbm>>
        %dma_wait3A_86 = tpu.memref_squeeze %dma_wait3A_85 : memref<1x128xi32, #tpu.memory_space<hbm>> -> memref<128xi32, #tpu.memory_space<hbm>>
        tpu.wait_dma2 semaphore(%arg17 : memref<!tpu.dma_semaphore, #tpu.memory_space<semaphore_mem>>) src(%dma_wait3A_86 : memref<128xi32, #tpu.memory_space<hbm>>) dst(%arg8 : memref<128xi32, #tpu.memory_space<vmem>>)
        %add3A_87 = arith.constant 1 : i32
        %add3A_88 = arith.addi %add3A_42, %add3A_87 : i32
        %mul3A_89 = arith.constant 128 : i32
        %mul3A_90 = arith.muli %add3A_88, %mul3A_89 : i32
        %add3A_91 = arith.addi %mul3A_4, %mul3A_90 : i32
        %dma_wait3A_92 = arith.constant 1 : i32
        %dma_wait3A_93 = tpu.memref_slice %arg3[%dma_wait3A_92, %add3A_91] : memref<2x327680xi32, #tpu.memory_space<hbm>> -> memref<1x128xi32, #tpu.memory_space<hbm>>
        %dma_wait3A_94 = tpu.memref_squeeze %dma_wait3A_93 : memref<1x128xi32, #tpu.memory_space<hbm>> -> memref<128xi32, #tpu.memory_space<hbm>>
        %dma_wait3A_95 = tpu.memref_slice %arg3[%dma_wait3A_92, %add3A_91] : memref<2x327680xi32, #tpu.memory_space<hbm>> -> memref<1x128xi32, #tpu.memory_space<hbm>>
        %dma_wait3A_96 = tpu.memref_squeeze %dma_wait3A_95 : memref<1x128xi32, #tpu.memory_space<hbm>> -> memref<128xi32, #tpu.memory_space<hbm>>
        tpu.wait_dma2 semaphore(%arg19 : memref<!tpu.dma_semaphore, #tpu.memory_space<semaphore_mem>>) src(%dma_wait3A_96 : memref<128xi32, #tpu.memory_space<hbm>>) dst(%arg10 : memref<128xi32, #tpu.memory_space<vmem>>)
        %dma_start3A_97 = arith.constant 0 : i32
        %dma_start3A_98 = arith.constant 0 : i32
        %dma_start3A_99 = tpu.memref_slice %arg2[%dma_start3A_97, %dma_start3A_98] : memref<10000x128xf32, #tpu.memory_space<hbm>> -> memref<10000x128xf32, #tpu.memory_space<hbm>>
        tpu.enqueue_indirect_dma source(%dma_start3A_99 : memref<10000x128xf32, #tpu.memory_space<hbm>>) target(%arg12 : memref<128x128xf32, #tpu.memory_space<vmem>>) offsets(%arg8 : memref<128xi32, #tpu.memory_space<vmem>>) semaphore(%arg15 : memref<!tpu.dma_semaphore, #tpu.memory_space<semaphore_mem>>)
      } else {
      }
      "tpu.region"() ({
        %run_scoped3A_77 = tpu.sem_alloc : memref<!tpu.dma_semaphore, #tpu.memory_space<semaphore_mem>>
        %dma_start3A_78 = arith.constant 0 : i32
        %dma_start3A_79 = arith.constant 0 : i32
        %dma_start3A_80 = tpu.memref_slice %arg13[%dma_start3A_78, %dma_start3A_79] : memref<10240x128xf32, #tpu.memory_space<vmem_shared>> -> memref<10240x128xf32, #tpu.memory_space<vmem_shared>>
        tpu.enqueue_indirect_dma source(%arg11 : memref<128x128xf32, #tpu.memory_space<vmem>>) target(%dma_start3A_80 : memref<10240x128xf32, #tpu.memory_space<vmem_shared>>) offsets(%arg9 : memref<128xi32, #tpu.memory_space<vmem>>) semaphore(%run_scoped3A_77 : memref<!tpu.dma_semaphore, #tpu.memory_space<semaphore_mem>>) {add = true}
        %dma_wait3A_81 = arith.constant 0 : i32
        %dma_wait3A_82 = arith.constant 0 : i32
        %dma_wait3A_83 = tpu.memref_slice %arg13[%dma_wait3A_81, %dma_wait3A_82] : memref<10240x128xf32, #tpu.memory_space<vmem_shared>> -> memref<10240x128xf32, #tpu.memory_space<vmem_shared>>
        tpu.wait_indirect_dma semaphore(%run_scoped3A_77 : memref<!tpu.dma_semaphore, #tpu.memory_space<semaphore_mem>>) src(%arg11 : memref<128x128xf32, #tpu.memory_space<vmem>>) dst(%dma_wait3A_83 : memref<10240x128xf32, #tpu.memory_space<vmem_shared>>)
        tpu.yield
      }) : () -> ()
      %add3A_51 = arith.constant 2 : i32
      %add3A_52 = arith.addi %add3A_42, %add3A_51 : i32
      %lt3A_53 = arith.constant 80 : i32
      %lt3A_54 = arith.cmpi slt, %add3A_52, %lt3A_53 : i32
      %convert_element_type3A_55 = arith.extui %lt3A_54 : i1 to i32
      %cond3A_56 = arith.constant 0 : i32
      %cond3A_57 = arith.cmpi ne, %convert_element_type3A_55, %cond3A_56 : i32
      scf.if %cond3A_57 {
        %add3A_77 = arith.constant 2 : i32
        %add3A_78 = arith.addi %add3A_42, %add3A_77 : i32
        %mul3A_79 = arith.constant 128 : i32
        %mul3A_80 = arith.muli %add3A_78, %mul3A_79 : i32
        %add3A_81 = arith.addi %mul3A_4, %mul3A_80 : i32
        %dma_start3A_82 = arith.constant 0 : i32
        %dma_start3A_83 = tpu.memref_slice %arg3[%dma_start3A_82, %add3A_81] : memref<2x327680xi32, #tpu.memory_space<hbm>> -> memref<1x128xi32, #tpu.memory_space<hbm>>
        %dma_start3A_84 = tpu.memref_squeeze %dma_start3A_83 : memref<1x128xi32, #tpu.memory_space<hbm>> -> memref<128xi32, #tpu.memory_space<hbm>>
        %dma_start3A_85 = tpu.memref_slice %arg3[%dma_start3A_82, %add3A_81] : memref<2x327680xi32, #tpu.memory_space<hbm>> -> memref<1x128xi32, #tpu.memory_space<hbm>>
        %dma_start3A_86 = tpu.memref_squeeze %dma_start3A_85 : memref<1x128xi32, #tpu.memory_space<hbm>> -> memref<128xi32, #tpu.memory_space<hbm>>
        tpu.enqueue_dma source(%dma_start3A_86 : memref<128xi32, #tpu.memory_space<hbm>>) target(%arg7 : memref<128xi32, #tpu.memory_space<vmem>>) target_semaphore(%arg16 : memref<!tpu.dma_semaphore, #tpu.memory_space<semaphore_mem>>)
        %add3A_87 = arith.constant 2 : i32
        %add3A_88 = arith.addi %add3A_42, %add3A_87 : i32
        %mul3A_89 = arith.constant 128 : i32
        %mul3A_90 = arith.muli %add3A_88, %mul3A_89 : i32
        %add3A_91 = arith.addi %mul3A_4, %mul3A_90 : i32
        %dma_start3A_92 = arith.constant 1 : i32
        %dma_start3A_93 = tpu.memref_slice %arg3[%dma_start3A_92, %add3A_91] : memref<2x327680xi32, #tpu.memory_space<hbm>> -> memref<1x128xi32, #tpu.memory_space<hbm>>
        %dma_start3A_94 = tpu.memref_squeeze %dma_start3A_93 : memref<1x128xi32, #tpu.memory_space<hbm>> -> memref<128xi32, #tpu.memory_space<hbm>>
        %dma_start3A_95 = tpu.memref_slice %arg3[%dma_start3A_92, %add3A_91] : memref<2x327680xi32, #tpu.memory_space<hbm>> -> memref<1x128xi32, #tpu.memory_space<hbm>>
        %dma_start3A_96 = tpu.memref_squeeze %dma_start3A_95 : memref<1x128xi32, #tpu.memory_space<hbm>> -> memref<128xi32, #tpu.memory_space<hbm>>
        tpu.enqueue_dma source(%dma_start3A_96 : memref<128xi32, #tpu.memory_space<hbm>>) target(%arg9 : memref<128xi32, #tpu.memory_space<vmem>>) target_semaphore(%arg18 : memref<!tpu.dma_semaphore, #tpu.memory_space<semaphore_mem>>)
      } else {
      }
      %add3A_58 = arith.constant 1 : i32
      %add3A_59 = arith.addi %add3A_40, %add3A_58 : i32
      %dma_wait3A_60 = arith.constant 0 : i32
      %dma_wait3A_61 = arith.constant 0 : i32
      %dma_wait3A_62 = tpu.memref_slice %arg2[%dma_wait3A_60, %dma_wait3A_61] : memref<10000x128xf32, #tpu.memory_space<hbm>> -> memref<10000x128xf32, #tpu.memory_space<hbm>>
      tpu.wait_indirect_dma semaphore(%arg15 : memref<!tpu.dma_semaphore, #tpu.memory_space<semaphore_mem>>) src(%dma_wait3A_62 : memref<10000x128xf32, #tpu.memory_space<hbm>>) dst(%arg12 : memref<128x128xf32, #tpu.memory_space<vmem>>)
      %add3A_63 = arith.constant 1 : i32
      %add3A_64 = arith.addi %add3A_59, %add3A_63 : i32
      %lt3A_65 = arith.constant 80 : i32
      %lt3A_66 = arith.cmpi slt, %add3A_64, %lt3A_65 : i32
      %convert_element_type3A_67 = arith.extui %lt3A_66 : i1 to i32
      %cond3A_68 = arith.constant 0 : i32
      %cond3A_69 = arith.cmpi ne, %convert_element_type3A_67, %cond3A_68 : i32
      scf.if %cond3A_69 {
        %add3A_77 = arith.constant 1 : i32
        %add3A_78 = arith.addi %add3A_59, %add3A_77 : i32
        %mul3A_79 = arith.constant 128 : i32
        %mul3A_80 = arith.muli %add3A_78, %mul3A_79 : i32
        %add3A_81 = arith.addi %mul3A_4, %mul3A_80 : i32
        %dma_wait3A_82 = arith.constant 0 : i32
        %dma_wait3A_83 = tpu.memref_slice %arg3[%dma_wait3A_82, %add3A_81] : memref<2x327680xi32, #tpu.memory_space<hbm>> -> memref<1x128xi32, #tpu.memory_space<hbm>>
        %dma_wait3A_84 = tpu.memref_squeeze %dma_wait3A_83 : memref<1x128xi32, #tpu.memory_space<hbm>> -> memref<128xi32, #tpu.memory_space<hbm>>
        %dma_wait3A_85 = tpu.memref_slice %arg3[%dma_wait3A_82, %add3A_81] : memref<2x327680xi32, #tpu.memory_space<hbm>> -> memref<1x128xi32, #tpu.memory_space<hbm>>
        %dma_wait3A_86 = tpu.memref_squeeze %dma_wait3A_85 : memref<1x128xi32, #tpu.memory_space<hbm>> -> memref<128xi32, #tpu.memory_space<hbm>>
        tpu.wait_dma2 semaphore(%arg16 : memref<!tpu.dma_semaphore, #tpu.memory_space<semaphore_mem>>) src(%dma_wait3A_86 : memref<128xi32, #tpu.memory_space<hbm>>) dst(%arg7 : memref<128xi32, #tpu.memory_space<vmem>>)
        %add3A_87 = arith.constant 1 : i32
        %add3A_88 = arith.addi %add3A_59, %add3A_87 : i32
        %mul3A_89 = arith.constant 128 : i32
        %mul3A_90 = arith.muli %add3A_88, %mul3A_89 : i32
        %add3A_91 = arith.addi %mul3A_4, %mul3A_90 : i32
        %dma_wait3A_92 = arith.constant 1 : i32
        %dma_wait3A_93 = tpu.memref_slice %arg3[%dma_wait3A_92, %add3A_91] : memref<2x327680xi32, #tpu.memory_space<hbm>> -> memref<1x128xi32, #tpu.memory_space<hbm>>
        %dma_wait3A_94 = tpu.memref_squeeze %dma_wait3A_93 : memref<1x128xi32, #tpu.memory_space<hbm>> -> memref<128xi32, #tpu.memory_space<hbm>>
        %dma_wait3A_95 = tpu.memref_slice %arg3[%dma_wait3A_92, %add3A_91] : memref<2x327680xi32, #tpu.memory_space<hbm>> -> memref<1x128xi32, #tpu.memory_space<hbm>>
        %dma_wait3A_96 = tpu.memref_squeeze %dma_wait3A_95 : memref<1x128xi32, #tpu.memory_space<hbm>> -> memref<128xi32, #tpu.memory_space<hbm>>
        tpu.wait_dma2 semaphore(%arg18 : memref<!tpu.dma_semaphore, #tpu.memory_space<semaphore_mem>>) src(%dma_wait3A_96 : memref<128xi32, #tpu.memory_space<hbm>>) dst(%arg9 : memref<128xi32, #tpu.memory_space<vmem>>)
        %dma_start3A_97 = arith.constant 0 : i32
        %dma_start3A_98 = arith.constant 0 : i32
        %dma_start3A_99 = tpu.memref_slice %arg2[%dma_start3A_97, %dma_start3A_98] : memref<10000x128xf32, #tpu.memory_space<hbm>> -> memref<10000x128xf32, #tpu.memory_space<hbm>>
        tpu.enqueue_indirect_dma source(%dma_start3A_99 : memref<10000x128xf32, #tpu.memory_space<hbm>>) target(%arg11 : memref<128x128xf32, #tpu.memory_space<vmem>>) offsets(%arg7 : memref<128xi32, #tpu.memory_space<vmem>>) semaphore(%arg14 : memref<!tpu.dma_semaphore, #tpu.memory_space<semaphore_mem>>)
      } else {
      }
      "tpu.region"() ({
        %run_scoped3A_77 = tpu.sem_alloc : memref<!tpu.dma_semaphore, #tpu.memory_space<semaphore_mem>>
        %dma_start3A_78 = arith.constant 0 : i32
        %dma_start3A_79 = arith.constant 0 : i32
        %dma_start3A_80 = tpu.memref_slice %arg13[%dma_start3A_78, %dma_start3A_79] : memref<10240x128xf32, #tpu.memory_space<vmem_shared>> -> memref<10240x128xf32, #tpu.memory_space<vmem_shared>>
        tpu.enqueue_indirect_dma source(%arg12 : memref<128x128xf32, #tpu.memory_space<vmem>>) target(%dma_start3A_80 : memref<10240x128xf32, #tpu.memory_space<vmem_shared>>) offsets(%arg10 : memref<128xi32, #tpu.memory_space<vmem>>) semaphore(%run_scoped3A_77 : memref<!tpu.dma_semaphore, #tpu.memory_space<semaphore_mem>>) {add = true}
        %dma_wait3A_81 = arith.constant 0 : i32
        %dma_wait3A_82 = arith.constant 0 : i32
        %dma_wait3A_83 = tpu.memref_slice %arg13[%dma_wait3A_81, %dma_wait3A_82] : memref<10240x128xf32, #tpu.memory_space<vmem_shared>> -> memref<10240x128xf32, #tpu.memory_space<vmem_shared>>
        tpu.wait_indirect_dma semaphore(%run_scoped3A_77 : memref<!tpu.dma_semaphore, #tpu.memory_space<semaphore_mem>>) src(%arg12 : memref<128x128xf32, #tpu.memory_space<vmem>>) dst(%dma_wait3A_83 : memref<10240x128xf32, #tpu.memory_space<vmem_shared>>)
        tpu.yield
      }) : () -> ()
      %add3A_70 = arith.constant 2 : i32
      %add3A_71 = arith.addi %add3A_59, %add3A_70 : i32
      %lt3A_72 = arith.constant 80 : i32
      %lt3A_73 = arith.cmpi slt, %add3A_71, %lt3A_72 : i32
      %convert_element_type3A_74 = arith.extui %lt3A_73 : i1 to i32
      %cond3A_75 = arith.constant 0 : i32
      %cond3A_76 = arith.cmpi ne, %convert_element_type3A_74, %cond3A_75 : i32
      scf.if %cond3A_76 {
        %add3A_77 = arith.constant 2 : i32
        %add3A_78 = arith.addi %add3A_59, %add3A_77 : i32
        %mul3A_79 = arith.constant 128 : i32
        %mul3A_80 = arith.muli %add3A_78, %mul3A_79 : i32
        %add3A_81 = arith.addi %mul3A_4, %mul3A_80 : i32
        %dma_start3A_82 = arith.constant 0 : i32
        %dma_start3A_83 = tpu.memref_slice %arg3[%dma_start3A_82, %add3A_81] : memref<2x327680xi32, #tpu.memory_space<hbm>> -> memref<1x128xi32, #tpu.memory_space<hbm>>
        %dma_start3A_84 = tpu.memref_squeeze %dma_start3A_83 : memref<1x128xi32, #tpu.memory_space<hbm>> -> memref<128xi32, #tpu.memory_space<hbm>>
        %dma_start3A_85 = tpu.memref_slice %arg3[%dma_start3A_82, %add3A_81] : memref<2x327680xi32, #tpu.memory_space<hbm>> -> memref<1x128xi32, #tpu.memory_space<hbm>>
        %dma_start3A_86 = tpu.memref_squeeze %dma_start3A_85 : memref<1x128xi32, #tpu.memory_space<hbm>> -> memref<128xi32, #tpu.memory_space<hbm>>
        tpu.enqueue_dma source(%dma_start3A_86 : memref<128xi32, #tpu.memory_space<hbm>>) target(%arg8 : memref<128xi32, #tpu.memory_space<vmem>>) target_semaphore(%arg17 : memref<!tpu.dma_semaphore, #tpu.memory_space<semaphore_mem>>)
        %add3A_87 = arith.constant 2 : i32
        %add3A_88 = arith.addi %add3A_59, %add3A_87 : i32
        %mul3A_89 = arith.constant 128 : i32
        %mul3A_90 = arith.muli %add3A_88, %mul3A_89 : i32
        %add3A_91 = arith.addi %mul3A_4, %mul3A_90 : i32
        %dma_start3A_92 = arith.constant 1 : i32
        %dma_start3A_93 = tpu.memref_slice %arg3[%dma_start3A_92, %add3A_91] : memref<2x327680xi32, #tpu.memory_space<hbm>> -> memref<1x128xi32, #tpu.memory_space<hbm>>
        %dma_start3A_94 = tpu.memref_squeeze %dma_start3A_93 : memref<1x128xi32, #tpu.memory_space<hbm>> -> memref<128xi32, #tpu.memory_space<hbm>>
        %dma_start3A_95 = tpu.memref_slice %arg3[%dma_start3A_92, %add3A_91] : memref<2x327680xi32, #tpu.memory_space<hbm>> -> memref<1x128xi32, #tpu.memory_space<hbm>>
        %dma_start3A_96 = tpu.memref_squeeze %dma_start3A_95 : memref<1x128xi32, #tpu.memory_space<hbm>> -> memref<128xi32, #tpu.memory_space<hbm>>
        tpu.enqueue_dma source(%dma_start3A_96 : memref<128xi32, #tpu.memory_space<hbm>>) target(%arg10 : memref<128xi32, #tpu.memory_space<vmem>>) target_semaphore(%arg19 : memref<!tpu.dma_semaphore, #tpu.memory_space<semaphore_mem>>)
      } else {
      }
    }
    %scan3A_25 = arith.constant 40 : i32
    %barrier3A_26 = arith.constant 0 : index
    tpu.barrier barrier_id(%barrier3A_26)
    %run_scoped3A_27 = arith.constant 0 : i32
    "tpu.region"() ({
      %run_scoped3A_36 = tpu.sem_alloc : memref<!tpu.dma_semaphore, #tpu.memory_space<semaphore_mem>>
      %dma_start3A_37 = tpu.memref_slice %arg3[%run_scoped3A_27, %mul3A_4] : memref<2x327680xi32, #tpu.memory_space<hbm>> -> memref<1x128xi32, #tpu.memory_space<hbm>>
      %dma_start3A_38 = tpu.memref_squeeze %dma_start3A_37 : memref<1x128xi32, #tpu.memory_space<hbm>> -> memref<128xi32, #tpu.memory_space<hbm>>
      %dma_start3A_39 = tpu.memref_slice %arg3[%run_scoped3A_27, %mul3A_4] : memref<2x327680xi32, #tpu.memory_space<hbm>> -> memref<1x128xi32, #tpu.memory_space<hbm>>
      %dma_start3A_40 = tpu.memref_squeeze %dma_start3A_39 : memref<1x128xi32, #tpu.memory_space<hbm>> -> memref<128xi32, #tpu.memory_space<hbm>>
      tpu.enqueue_dma source(%dma_start3A_40 : memref<128xi32, #tpu.memory_space<hbm>>) target(%arg7 : memref<128xi32, #tpu.memory_space<vmem>>) target_semaphore(%run_scoped3A_36 : memref<!tpu.dma_semaphore, #tpu.memory_space<semaphore_mem>>)
      %dma_wait3A = tpu.memref_slice %arg3[%run_scoped3A_27, %mul3A_4] : memref<2x327680xi32, #tpu.memory_space<hbm>> -> memref<1x128xi32, #tpu.memory_space<hbm>>
      %dma_wait3A_41 = tpu.memref_squeeze %dma_wait3A : memref<1x128xi32, #tpu.memory_space<hbm>> -> memref<128xi32, #tpu.memory_space<hbm>>
      %dma_wait3A_42 = tpu.memref_slice %arg3[%run_scoped3A_27, %mul3A_4] : memref<2x327680xi32, #tpu.memory_space<hbm>> -> memref<1x128xi32, #tpu.memory_space<hbm>>
      %dma_wait3A_43 = tpu.memref_squeeze %dma_wait3A_42 : memref<1x128xi32, #tpu.memory_space<hbm>> -> memref<128xi32, #tpu.memory_space<hbm>>
      tpu.wait_dma2 semaphore(%run_scoped3A_36 : memref<!tpu.dma_semaphore, #tpu.memory_space<semaphore_mem>>) src(%dma_wait3A_43 : memref<128xi32, #tpu.memory_space<hbm>>) dst(%arg7 : memref<128xi32, #tpu.memory_space<vmem>>)
      tpu.yield
    }) : () -> ()
    %barrier3A_28 = arith.constant 0 : index
    tpu.barrier barrier_id(%barrier3A_28)
    %eq3A = arith.constant 0 : i32
    %eq3A_29 = arith.cmpi eq, %arg0, %eq3A : i32
    %convert_element_type3A = arith.extui %eq3A_29 : i1 to i32
    %cond3A = arith.constant 0 : i32
    %cond3A_30 = arith.cmpi ne, %convert_element_type3A, %cond3A : i32
    scf.if %cond3A_30 {
      "tpu.region"() ({
        %run_scoped3A_36 = tpu.sem_alloc : memref<!tpu.dma_semaphore, #tpu.memory_space<semaphore_mem>>
        %dma_start3A_37 = arith.constant 0 : i32
        %dma_start3A_38 = tpu.memref_slice %arg5[%mul3A_2, %dma_start3A_37] : memref<10240x128xf32, #tpu.memory_space<hbm>> -> memref<640x128xf32, #tpu.memory_space<hbm>>
        %dma_start3A_39 = arith.constant 0 : i32
        %dma_start3A_40 = tpu.memref_slice %arg13[%mul3A_2, %dma_start3A_39] : memref<10240x128xf32, #tpu.memory_space<vmem_shared>> -> memref<640x128xf32, #tpu.memory_space<vmem_shared>>
        tpu.enqueue_dma source(%dma_start3A_40 : memref<640x128xf32, #tpu.memory_space<vmem_shared>>) target(%dma_start3A_38 : memref<640x128xf32, #tpu.memory_space<hbm>>) target_semaphore(%run_scoped3A_36 : memref<!tpu.dma_semaphore, #tpu.memory_space<semaphore_mem>>)
        %dma_wait3A = arith.constant 0 : i32
        %dma_wait3A_41 = tpu.memref_slice %arg5[%mul3A_2, %dma_wait3A] : memref<10240x128xf32, #tpu.memory_space<hbm>> -> memref<640x128xf32, #tpu.memory_space<hbm>>
        %dma_wait3A_42 = arith.constant 0 : i32
        %dma_wait3A_43 = tpu.memref_slice %arg13[%mul3A_2, %dma_wait3A_42] : memref<10240x128xf32, #tpu.memory_space<vmem_shared>> -> memref<640x128xf32, #tpu.memory_space<vmem_shared>>
        tpu.wait_dma2 semaphore(%run_scoped3A_36 : memref<!tpu.dma_semaphore, #tpu.memory_space<semaphore_mem>>) src(%dma_wait3A_43 : memref<640x128xf32, #tpu.memory_space<vmem_shared>>) dst(%dma_wait3A_41 : memref<640x128xf32, #tpu.memory_space<hbm>>)
        tpu.yield
      }) : () -> ()
    } else {
    }
    %eq3A_31 = arith.constant 1 : i32
    %eq3A_32 = arith.cmpi eq, %arg0, %eq3A_31 : i32
    %convert_element_type3A_33 = arith.extui %eq3A_32 : i1 to i32
    %cond3A_34 = arith.constant 0 : i32
    %cond3A_35 = arith.cmpi ne, %convert_element_type3A_33, %cond3A_34 : i32
    scf.if %cond3A_35 {
      "tpu.region"() ({
        %run_scoped3A_36 = tpu.sem_alloc : memref<!tpu.dma_semaphore, #tpu.memory_space<semaphore_mem>>
        %dma_start3A_37 = arith.constant 0 : i32
        %dma_start3A_38 = tpu.memref_slice %arg6[%mul3A_2, %dma_start3A_37] : memref<10240x128xf32, #tpu.memory_space<hbm>> -> memref<640x128xf32, #tpu.memory_space<hbm>>
        %dma_start3A_39 = arith.constant 0 : i32
        %dma_start3A_40 = tpu.memref_slice %arg13[%mul3A_2, %dma_start3A_39] : memref<10240x128xf32, #tpu.memory_space<vmem_shared>> -> memref<640x128xf32, #tpu.memory_space<vmem_shared>>
        tpu.enqueue_dma source(%dma_start3A_40 : memref<640x128xf32, #tpu.memory_space<vmem_shared>>) target(%dma_start3A_38 : memref<640x128xf32, #tpu.memory_space<hbm>>) target_semaphore(%run_scoped3A_36 : memref<!tpu.dma_semaphore, #tpu.memory_space<semaphore_mem>>)
        %dma_wait3A = arith.constant 0 : i32
        %dma_wait3A_41 = tpu.memref_slice %arg6[%mul3A_2, %dma_wait3A] : memref<10240x128xf32, #tpu.memory_space<hbm>> -> memref<640x128xf32, #tpu.memory_space<hbm>>
        %dma_wait3A_42 = arith.constant 0 : i32
        %dma_wait3A_43 = tpu.memref_slice %arg13[%mul3A_2, %dma_wait3A_42] : memref<10240x128xf32, #tpu.memory_space<vmem_shared>> -> memref<640x128xf32, #tpu.memory_space<vmem_shared>>
        tpu.wait_dma2 semaphore(%run_scoped3A_36 : memref<!tpu.dma_semaphore, #tpu.memory_space<semaphore_mem>>) src(%dma_wait3A_43 : memref<640x128xf32, #tpu.memory_space<vmem_shared>>) dst(%dma_wait3A_41 : memref<640x128xf32, #tpu.memory_space<hbm>>)
        tpu.yield
      }) : () -> ()
    } else {
    }
    return
  }
}

#map = affine_map<(d0, d1) -> (0, 0)>
module attributes {stable_mosaic.version = 14 : i64} {
  func.func @_sc_aggregate(%arg0: i32, %arg1: i32, %arg2: memref<10000x128xf32, #tpu.memory_space<hbm>>, %arg3: memref<2x327680xi32, #tpu.memory_space<hbm>>, %arg4: memref<10240x128xf32, #tpu.memory_space<hbm>>, %arg5: memref<10240x128xf32, #tpu.memory_space<hbm>>, %arg6: memref<10240x128xf32, #tpu.memory_space<hbm>>, %arg7: memref<128xi32, #tpu.memory_space<vmem>>, %arg8: memref<128xi32, #tpu.memory_space<vmem>>, %arg9: memref<128xi32, #tpu.memory_space<vmem>>, %arg10: memref<128xi32, #tpu.memory_space<vmem>>, %arg11: memref<128x128xf32, #tpu.memory_space<vmem>>, %arg12: memref<128x128xf32, #tpu.memory_space<vmem>>, %arg13: memref<10240x128xf32, #tpu.memory_space<vmem_shared>>, %arg14: memref<!tpu.dma_semaphore, #tpu.memory_space<semaphore_mem>>, %arg15: memref<!tpu.dma_semaphore, #tpu.memory_space<semaphore_mem>>, %arg16: memref<!tpu.dma_semaphore, #tpu.memory_space<semaphore_mem>>, %arg17: memref<!tpu.dma_semaphore, #tpu.memory_space<semaphore_mem>>, %arg18: memref<!tpu.dma_semaphore, #tpu.memory_space<semaphore_mem>>, %arg19: memref<!tpu.dma_semaphore, #tpu.memory_space<semaphore_mem>>) attributes {dimension_semantics = [#tpu.dimension_semantics<core_parallel>, #tpu.dimension_semantics<subcore_parallel>], iteration_bounds = array<i64: 2, 16>, scalar_prefetch = 0 : i64, scratch_operands = 13 : i64, tpu.core_type = #tpu.core_type<sc_vector_subcore>, window_params = [{transform_indices = #map}, {transform_indices = #map}, {transform_indices = #map}, {transform_indices = #map}, {transform_indices = #map}]} {
    %mul3A = arith.constant 16 : i32
    %mul3A_0 = arith.muli %arg0, %mul3A : i32
    %add3A = arith.addi %mul3A_0, %arg1 : i32
    %mul3A_1 = arith.constant 640 : i32
    %mul3A_2 = arith.muli %arg1, %mul3A_1 : i32
    %mul3A_3 = arith.constant 10240 : i32
    %mul3A_4 = arith.muli %add3A, %mul3A_3 : i32
    "tpu.region"() ({
      %run_scoped3A_36 = tpu.sem_alloc : memref<!tpu.dma_semaphore, #tpu.memory_space<semaphore_mem>>
      %dma_start3A_37 = arith.constant 0 : i32
      %dma_start3A_38 = tpu.memref_slice %arg13[%mul3A_2, %dma_start3A_37] : memref<10240x128xf32, #tpu.memory_space<vmem_shared>> -> memref<640x128xf32, #tpu.memory_space<vmem_shared>>
      %dma_start3A_39 = arith.constant 0 : i32
      %dma_start3A_40 = tpu.memref_slice %arg4[%mul3A_2, %dma_start3A_39] : memref<10240x128xf32, #tpu.memory_space<hbm>> -> memref<640x128xf32, #tpu.memory_space<hbm>>
      tpu.enqueue_dma source(%dma_start3A_40 : memref<640x128xf32, #tpu.memory_space<hbm>>) target(%dma_start3A_38 : memref<640x128xf32, #tpu.memory_space<vmem_shared>>) target_semaphore(%run_scoped3A_36 : memref<!tpu.dma_semaphore, #tpu.memory_space<semaphore_mem>>)
      %dma_wait3A = arith.constant 0 : i32
      %dma_wait3A_41 = tpu.memref_slice %arg13[%mul3A_2, %dma_wait3A] : memref<10240x128xf32, #tpu.memory_space<vmem_shared>> -> memref<640x128xf32, #tpu.memory_space<vmem_shared>>
      %dma_wait3A_42 = arith.constant 0 : i32
      %dma_wait3A_43 = tpu.memref_slice %arg4[%mul3A_2, %dma_wait3A_42] : memref<10240x128xf32, #tpu.memory_space<hbm>> -> memref<640x128xf32, #tpu.memory_space<hbm>>
      tpu.wait_dma2 semaphore(%run_scoped3A_36 : memref<!tpu.dma_semaphore, #tpu.memory_space<semaphore_mem>>) src(%dma_wait3A_43 : memref<640x128xf32, #tpu.memory_space<hbm>>) dst(%dma_wait3A_41 : memref<640x128xf32, #tpu.memory_space<vmem_shared>>)
      tpu.yield
    }) : () -> ()
    %run_scoped3A = arith.constant 0 : i32
    "tpu.region"() ({
      %run_scoped3A_36 = tpu.sem_alloc : memref<!tpu.dma_semaphore, #tpu.memory_space<semaphore_mem>>
      %dma_start3A_37 = tpu.memref_slice %arg3[%run_scoped3A, %mul3A_4] : memref<2x327680xi32, #tpu.memory_space<hbm>> -> memref<1x128xi32, #tpu.memory_space<hbm>>
      %dma_start3A_38 = tpu.memref_squeeze %dma_start3A_37 : memref<1x128xi32, #tpu.memory_space<hbm>> -> memref<128xi32, #tpu.memory_space<hbm>>
      %dma_start3A_39 = tpu.memref_slice %arg3[%run_scoped3A, %mul3A_4] : memref<2x327680xi32, #tpu.memory_space<hbm>> -> memref<1x128xi32, #tpu.memory_space<hbm>>
      %dma_start3A_40 = tpu.memref_squeeze %dma_start3A_39 : memref<1x128xi32, #tpu.memory_space<hbm>> -> memref<128xi32, #tpu.memory_space<hbm>>
      tpu.enqueue_dma source(%dma_start3A_40 : memref<128xi32, #tpu.memory_space<hbm>>) target(%arg7 : memref<128xi32, #tpu.memory_space<vmem>>) target_semaphore(%run_scoped3A_36 : memref<!tpu.dma_semaphore, #tpu.memory_space<semaphore_mem>>)
      %dma_wait3A = tpu.memref_slice %arg3[%run_scoped3A, %mul3A_4] : memref<2x327680xi32, #tpu.memory_space<hbm>> -> memref<1x128xi32, #tpu.memory_space<hbm>>
      %dma_wait3A_41 = tpu.memref_squeeze %dma_wait3A : memref<1x128xi32, #tpu.memory_space<hbm>> -> memref<128xi32, #tpu.memory_space<hbm>>
      %dma_wait3A_42 = tpu.memref_slice %arg3[%run_scoped3A, %mul3A_4] : memref<2x327680xi32, #tpu.memory_space<hbm>> -> memref<1x128xi32, #tpu.memory_space<hbm>>
      %dma_wait3A_43 = tpu.memref_squeeze %dma_wait3A_42 : memref<1x128xi32, #tpu.memory_space<hbm>> -> memref<128xi32, #tpu.memory_space<hbm>>
      tpu.wait_dma2 semaphore(%run_scoped3A_36 : memref<!tpu.dma_semaphore, #tpu.memory_space<semaphore_mem>>) src(%dma_wait3A_43 : memref<128xi32, #tpu.memory_space<hbm>>) dst(%arg7 : memref<128xi32, #tpu.memory_space<vmem>>)
      tpu.yield
    }) : () -> ()
    %run_scoped3A_5 = arith.constant 1 : i32
    "tpu.region"() ({
      %run_scoped3A_36 = tpu.sem_alloc : memref<!tpu.dma_semaphore, #tpu.memory_space<semaphore_mem>>
      %dma_start3A_37 = tpu.memref_slice %arg3[%run_scoped3A_5, %mul3A_4] : memref<2x327680xi32, #tpu.memory_space<hbm>> -> memref<1x128xi32, #tpu.memory_space<hbm>>
      %dma_start3A_38 = tpu.memref_squeeze %dma_start3A_37 : memref<1x128xi32, #tpu.memory_space<hbm>> -> memref<128xi32, #tpu.memory_space<hbm>>
      %dma_start3A_39 = tpu.memref_slice %arg3[%run_scoped3A_5, %mul3A_4] : memref<2x327680xi32, #tpu.memory_space<hbm>> -> memref<1x128xi32, #tpu.memory_space<hbm>>
      %dma_start3A_40 = tpu.memref_squeeze %dma_start3A_39 : memref<1x128xi32, #tpu.memory_space<hbm>> -> memref<128xi32, #tpu.memory_space<hbm>>
      tpu.enqueue_dma source(%dma_start3A_40 : memref<128xi32, #tpu.memory_space<hbm>>) target(%arg9 : memref<128xi32, #tpu.memory_space<vmem>>) target_semaphore(%run_scoped3A_36 : memref<!tpu.dma_semaphore, #tpu.memory_space<semaphore_mem>>)
      %dma_wait3A = tpu.memref_slice %arg3[%run_scoped3A_5, %mul3A_4] : memref<2x327680xi32, #tpu.memory_space<hbm>> -> memref<1x128xi32, #tpu.memory_space<hbm>>
      %dma_wait3A_41 = tpu.memref_squeeze %dma_wait3A : memref<1x128xi32, #tpu.memory_space<hbm>> -> memref<128xi32, #tpu.memory_space<hbm>>
      %dma_wait3A_42 = tpu.memref_slice %arg3[%run_scoped3A_5, %mul3A_4] : memref<2x327680xi32, #tpu.memory_space<hbm>> -> memref<1x128xi32, #tpu.memory_space<hbm>>
      %dma_wait3A_43 = tpu.memref_squeeze %dma_wait3A_42 : memref<1x128xi32, #tpu.memory_space<hbm>> -> memref<128xi32, #tpu.memory_space<hbm>>
      tpu.wait_dma2 semaphore(%run_scoped3A_36 : memref<!tpu.dma_semaphore, #tpu.memory_space<semaphore_mem>>) src(%dma_wait3A_43 : memref<128xi32, #tpu.memory_space<hbm>>) dst(%arg9 : memref<128xi32, #tpu.memory_space<vmem>>)
      tpu.yield
    }) : () -> ()
    %add3A_6 = arith.constant 128 : i32
    %add3A_7 = arith.addi %mul3A_4, %add3A_6 : i32
    %dma_start3A = arith.constant 0 : i32
    %dma_start3A_8 = tpu.memref_slice %arg3[%dma_start3A, %add3A_7] : memref<2x327680xi32, #tpu.memory_space<hbm>> -> memref<1x128xi32, #tpu.memory_space<hbm>>
    %dma_start3A_9 = tpu.memref_squeeze %dma_start3A_8 : memref<1x128xi32, #tpu.memory_space<hbm>> -> memref<128xi32, #tpu.memory_space<hbm>>
    %dma_start3A_10 = tpu.memref_slice %arg3[%dma_start3A, %add3A_7] : memref<2x327680xi32, #tpu.memory_space<hbm>> -> memref<1x128xi32, #tpu.memory_space<hbm>>
    %dma_start3A_11 = tpu.memref_squeeze %dma_start3A_10 : memref<1x128xi32, #tpu.memory_space<hbm>> -> memref<128xi32, #tpu.memory_space<hbm>>
    tpu.enqueue_dma source(%dma_start3A_11 : memref<128xi32, #tpu.memory_space<hbm>>) target(%arg8 : memref<128xi32, #tpu.memory_space<vmem>>) target_semaphore(%arg17 : memref<!tpu.dma_semaphore, #tpu.memory_space<semaphore_mem>>)
    %add3A_12 = arith.constant 128 : i32
    %add3A_13 = arith.addi %mul3A_4, %add3A_12 : i32
    %dma_start3A_14 = arith.constant 1 : i32
    %dma_start3A_15 = tpu.memref_slice %arg3[%dma_start3A_14, %add3A_13] : memref<2x327680xi32, #tpu.memory_space<hbm>> -> memref<1x128xi32, #tpu.memory_space<hbm>>
    %dma_start3A_16 = tpu.memref_squeeze %dma_start3A_15 : memref<1x128xi32, #tpu.memory_space<hbm>> -> memref<128xi32, #tpu.memory_space<hbm>>
    %dma_start3A_17 = tpu.memref_slice %arg3[%dma_start3A_14, %add3A_13] : memref<2x327680xi32, #tpu.memory_space<hbm>> -> memref<1x128xi32, #tpu.memory_space<hbm>>
    %dma_start3A_18 = tpu.memref_squeeze %dma_start3A_17 : memref<1x128xi32, #tpu.memory_space<hbm>> -> memref<128xi32, #tpu.memory_space<hbm>>
    tpu.enqueue_dma source(%dma_start3A_18 : memref<128xi32, #tpu.memory_space<hbm>>) target(%arg10 : memref<128xi32, #tpu.memory_space<vmem>>) target_semaphore(%arg19 : memref<!tpu.dma_semaphore, #tpu.memory_space<semaphore_mem>>)
    %barrier3A = arith.constant 0 : index
    tpu.barrier barrier_id(%barrier3A)
    %dma_start3A_19 = arith.constant 0 : i32
    %dma_start3A_20 = arith.constant 0 : i32
    %dma_start3A_21 = tpu.memref_slice %arg2[%dma_start3A_19, %dma_start3A_20] : memref<10000x128xf32, #tpu.memory_space<hbm>> -> memref<10000x128xf32, #tpu.memory_space<hbm>>
    tpu.enqueue_indirect_dma source(%dma_start3A_21 : memref<10000x128xf32, #tpu.memory_space<hbm>>) target(%arg11 : memref<128x128xf32, #tpu.memory_space<vmem>>) offsets(%arg7 : memref<128xi32, #tpu.memory_space<vmem>>) semaphore(%arg14 : memref<!tpu.dma_semaphore, #tpu.memory_space<semaphore_mem>>)
    %scan3A = arith.constant 0 : i32
    %scan3A_22 = arith.constant 40 : i32
    %scan3A_23 = arith.addi %scan3A, %scan3A_22 : i32
    %scan3A_24 = arith.constant 1 : i32
    scf.for %scan3A_36 = %scan3A to %scan3A_23 step %scan3A_24  : i32 {
      %mul3A_37 = arith.constant 2 : i32
      %mul3A_38 = arith.muli %scan3A_36, %mul3A_37 : i32
      %add3A_39 = arith.constant 0 : i32
      %add3A_40 = arith.addi %add3A_39, %mul3A_38 : i32
      %add3A_41 = arith.constant 0 : i32
      %add3A_42 = arith.addi %add3A_40, %add3A_41 : i32
      %dma_wait3A = arith.constant 0 : i32
      %dma_wait3A_43 = arith.constant 0 : i32
      %dma_wait3A_44 = tpu.memref_slice %arg2[%dma_wait3A, %dma_wait3A_43] : memref<10000x128xf32, #tpu.memory_space<hbm>> -> memref<10000x128xf32, #tpu.memory_space<hbm>>
      tpu.wait_indirect_dma semaphore(%arg14 : memref<!tpu.dma_semaphore, #tpu.memory_space<semaphore_mem>>) src(%dma_wait3A_44 : memref<10000x128xf32, #tpu.memory_space<hbm>>) dst(%arg11 : memref<128x128xf32, #tpu.memory_space<vmem>>)
      %add3A_45 = arith.constant 1 : i32
      %add3A_46 = arith.addi %add3A_42, %add3A_45 : i32
      %lt3A = arith.constant 80 : i32
      %lt3A_47 = arith.cmpi slt, %add3A_46, %lt3A : i32
      %convert_element_type3A_48 = arith.extui %lt3A_47 : i1 to i32
      %cond3A_49 = arith.constant 0 : i32
      %cond3A_50 = arith.cmpi ne, %convert_element_type3A_48, %cond3A_49 : i32
      scf.if %cond3A_50 {
        %add3A_77 = arith.constant 1 : i32
        %add3A_78 = arith.addi %add3A_42, %add3A_77 : i32
        %mul3A_79 = arith.constant 128 : i32
        %mul3A_80 = arith.muli %add3A_78, %mul3A_79 : i32
        %add3A_81 = arith.addi %mul3A_4, %mul3A_80 : i32
        %dma_wait3A_82 = arith.constant 0 : i32
        %dma_wait3A_83 = tpu.memref_slice %arg3[%dma_wait3A_82, %add3A_81] : memref<2x327680xi32, #tpu.memory_space<hbm>> -> memref<1x128xi32, #tpu.memory_space<hbm>>
        %dma_wait3A_84 = tpu.memref_squeeze %dma_wait3A_83 : memref<1x128xi32, #tpu.memory_space<hbm>> -> memref<128xi32, #tpu.memory_space<hbm>>
        %dma_wait3A_85 = tpu.memref_slice %arg3[%dma_wait3A_82, %add3A_81] : memref<2x327680xi32, #tpu.memory_space<hbm>> -> memref<1x128xi32, #tpu.memory_space<hbm>>
        %dma_wait3A_86 = tpu.memref_squeeze %dma_wait3A_85 : memref<1x128xi32, #tpu.memory_space<hbm>> -> memref<128xi32, #tpu.memory_space<hbm>>
        tpu.wait_dma2 semaphore(%arg17 : memref<!tpu.dma_semaphore, #tpu.memory_space<semaphore_mem>>) src(%dma_wait3A_86 : memref<128xi32, #tpu.memory_space<hbm>>) dst(%arg8 : memref<128xi32, #tpu.memory_space<vmem>>)
        %add3A_87 = arith.constant 1 : i32
        %add3A_88 = arith.addi %add3A_42, %add3A_87 : i32
        %mul3A_89 = arith.constant 128 : i32
        %mul3A_90 = arith.muli %add3A_88, %mul3A_89 : i32
        %add3A_91 = arith.addi %mul3A_4, %mul3A_90 : i32
        %dma_wait3A_92 = arith.constant 1 : i32
        %dma_wait3A_93 = tpu.memref_slice %arg3[%dma_wait3A_92, %add3A_91] : memref<2x327680xi32, #tpu.memory_space<hbm>> -> memref<1x128xi32, #tpu.memory_space<hbm>>
        %dma_wait3A_94 = tpu.memref_squeeze %dma_wait3A_93 : memref<1x128xi32, #tpu.memory_space<hbm>> -> memref<128xi32, #tpu.memory_space<hbm>>
        %dma_wait3A_95 = tpu.memref_slice %arg3[%dma_wait3A_92, %add3A_91] : memref<2x327680xi32, #tpu.memory_space<hbm>> -> memref<1x128xi32, #tpu.memory_space<hbm>>
        %dma_wait3A_96 = tpu.memref_squeeze %dma_wait3A_95 : memref<1x128xi32, #tpu.memory_space<hbm>> -> memref<128xi32, #tpu.memory_space<hbm>>
        tpu.wait_dma2 semaphore(%arg19 : memref<!tpu.dma_semaphore, #tpu.memory_space<semaphore_mem>>) src(%dma_wait3A_96 : memref<128xi32, #tpu.memory_space<hbm>>) dst(%arg10 : memref<128xi32, #tpu.memory_space<vmem>>)
        %dma_start3A_97 = arith.constant 0 : i32
        %dma_start3A_98 = arith.constant 0 : i32
        %dma_start3A_99 = tpu.memref_slice %arg2[%dma_start3A_97, %dma_start3A_98] : memref<10000x128xf32, #tpu.memory_space<hbm>> -> memref<10000x128xf32, #tpu.memory_space<hbm>>
        tpu.enqueue_indirect_dma source(%dma_start3A_99 : memref<10000x128xf32, #tpu.memory_space<hbm>>) target(%arg12 : memref<128x128xf32, #tpu.memory_space<vmem>>) offsets(%arg8 : memref<128xi32, #tpu.memory_space<vmem>>) semaphore(%arg15 : memref<!tpu.dma_semaphore, #tpu.memory_space<semaphore_mem>>)
      } else {
      }
      "tpu.region"() ({
        %run_scoped3A_77 = tpu.sem_alloc : memref<!tpu.dma_semaphore, #tpu.memory_space<semaphore_mem>>
        %dma_start3A_78 = arith.constant 0 : i32
        %dma_start3A_79 = arith.constant 0 : i32
        %dma_start3A_80 = tpu.memref_slice %arg13[%dma_start3A_78, %dma_start3A_79] : memref<10240x128xf32, #tpu.memory_space<vmem_shared>> -> memref<10240x128xf32, #tpu.memory_space<vmem_shared>>
        tpu.enqueue_indirect_dma source(%arg11 : memref<128x128xf32, #tpu.memory_space<vmem>>) target(%dma_start3A_80 : memref<10240x128xf32, #tpu.memory_space<vmem_shared>>) offsets(%arg9 : memref<128xi32, #tpu.memory_space<vmem>>) semaphore(%run_scoped3A_77 : memref<!tpu.dma_semaphore, #tpu.memory_space<semaphore_mem>>) {add = true}
        %dma_wait3A_81 = arith.constant 0 : i32
        %dma_wait3A_82 = arith.constant 0 : i32
        %dma_wait3A_83 = tpu.memref_slice %arg13[%dma_wait3A_81, %dma_wait3A_82] : memref<10240x128xf32, #tpu.memory_space<vmem_shared>> -> memref<10240x128xf32, #tpu.memory_space<vmem_shared>>
        tpu.wait_indirect_dma semaphore(%run_scoped3A_77 : memref<!tpu.dma_semaphore, #tpu.memory_space<semaphore_mem>>) src(%arg11 : memref<128x128xf32, #tpu.memory_space<vmem>>) dst(%dma_wait3A_83 : memref<10240x128xf32, #tpu.memory_space<vmem_shared>>)
        tpu.yield
      }) : () -> ()
      %add3A_51 = arith.constant 2 : i32
      %add3A_52 = arith.addi %add3A_42, %add3A_51 : i32
      %lt3A_53 = arith.constant 80 : i32
      %lt3A_54 = arith.cmpi slt, %add3A_52, %lt3A_53 : i32
      %convert_element_type3A_55 = arith.extui %lt3A_54 : i1 to i32
      %cond3A_56 = arith.constant 0 : i32
      %cond3A_57 = arith.cmpi ne, %convert_element_type3A_55, %cond3A_56 : i32
      scf.if %cond3A_57 {
        %add3A_77 = arith.constant 2 : i32
        %add3A_78 = arith.addi %add3A_42, %add3A_77 : i32
        %mul3A_79 = arith.constant 128 : i32
        %mul3A_80 = arith.muli %add3A_78, %mul3A_79 : i32
        %add3A_81 = arith.addi %mul3A_4, %mul3A_80 : i32
        %dma_start3A_82 = arith.constant 0 : i32
        %dma_start3A_83 = tpu.memref_slice %arg3[%dma_start3A_82, %add3A_81] : memref<2x327680xi32, #tpu.memory_space<hbm>> -> memref<1x128xi32, #tpu.memory_space<hbm>>
        %dma_start3A_84 = tpu.memref_squeeze %dma_start3A_83 : memref<1x128xi32, #tpu.memory_space<hbm>> -> memref<128xi32, #tpu.memory_space<hbm>>
        %dma_start3A_85 = tpu.memref_slice %arg3[%dma_start3A_82, %add3A_81] : memref<2x327680xi32, #tpu.memory_space<hbm>> -> memref<1x128xi32, #tpu.memory_space<hbm>>
        %dma_start3A_86 = tpu.memref_squeeze %dma_start3A_85 : memref<1x128xi32, #tpu.memory_space<hbm>> -> memref<128xi32, #tpu.memory_space<hbm>>
        tpu.enqueue_dma source(%dma_start3A_86 : memref<128xi32, #tpu.memory_space<hbm>>) target(%arg7 : memref<128xi32, #tpu.memory_space<vmem>>) target_semaphore(%arg16 : memref<!tpu.dma_semaphore, #tpu.memory_space<semaphore_mem>>)
        %add3A_87 = arith.constant 2 : i32
        %add3A_88 = arith.addi %add3A_42, %add3A_87 : i32
        %mul3A_89 = arith.constant 128 : i32
        %mul3A_90 = arith.muli %add3A_88, %mul3A_89 : i32
        %add3A_91 = arith.addi %mul3A_4, %mul3A_90 : i32
        %dma_start3A_92 = arith.constant 1 : i32
        %dma_start3A_93 = tpu.memref_slice %arg3[%dma_start3A_92, %add3A_91] : memref<2x327680xi32, #tpu.memory_space<hbm>> -> memref<1x128xi32, #tpu.memory_space<hbm>>
        %dma_start3A_94 = tpu.memref_squeeze %dma_start3A_93 : memref<1x128xi32, #tpu.memory_space<hbm>> -> memref<128xi32, #tpu.memory_space<hbm>>
        %dma_start3A_95 = tpu.memref_slice %arg3[%dma_start3A_92, %add3A_91] : memref<2x327680xi32, #tpu.memory_space<hbm>> -> memref<1x128xi32, #tpu.memory_space<hbm>>
        %dma_start3A_96 = tpu.memref_squeeze %dma_start3A_95 : memref<1x128xi32, #tpu.memory_space<hbm>> -> memref<128xi32, #tpu.memory_space<hbm>>
        tpu.enqueue_dma source(%dma_start3A_96 : memref<128xi32, #tpu.memory_space<hbm>>) target(%arg9 : memref<128xi32, #tpu.memory_space<vmem>>) target_semaphore(%arg18 : memref<!tpu.dma_semaphore, #tpu.memory_space<semaphore_mem>>)
      } else {
      }
      %add3A_58 = arith.constant 1 : i32
      %add3A_59 = arith.addi %add3A_40, %add3A_58 : i32
      %dma_wait3A_60 = arith.constant 0 : i32
      %dma_wait3A_61 = arith.constant 0 : i32
      %dma_wait3A_62 = tpu.memref_slice %arg2[%dma_wait3A_60, %dma_wait3A_61] : memref<10000x128xf32, #tpu.memory_space<hbm>> -> memref<10000x128xf32, #tpu.memory_space<hbm>>
      tpu.wait_indirect_dma semaphore(%arg15 : memref<!tpu.dma_semaphore, #tpu.memory_space<semaphore_mem>>) src(%dma_wait3A_62 : memref<10000x128xf32, #tpu.memory_space<hbm>>) dst(%arg12 : memref<128x128xf32, #tpu.memory_space<vmem>>)
      %add3A_63 = arith.constant 1 : i32
      %add3A_64 = arith.addi %add3A_59, %add3A_63 : i32
      %lt3A_65 = arith.constant 80 : i32
      %lt3A_66 = arith.cmpi slt, %add3A_64, %lt3A_65 : i32
      %convert_element_type3A_67 = arith.extui %lt3A_66 : i1 to i32
      %cond3A_68 = arith.constant 0 : i32
      %cond3A_69 = arith.cmpi ne, %convert_element_type3A_67, %cond3A_68 : i32
      scf.if %cond3A_69 {
        %add3A_77 = arith.constant 1 : i32
        %add3A_78 = arith.addi %add3A_59, %add3A_77 : i32
        %mul3A_79 = arith.constant 128 : i32
        %mul3A_80 = arith.muli %add3A_78, %mul3A_79 : i32
        %add3A_81 = arith.addi %mul3A_4, %mul3A_80 : i32
        %dma_wait3A_82 = arith.constant 0 : i32
        %dma_wait3A_83 = tpu.memref_slice %arg3[%dma_wait3A_82, %add3A_81] : memref<2x327680xi32, #tpu.memory_space<hbm>> -> memref<1x128xi32, #tpu.memory_space<hbm>>
        %dma_wait3A_84 = tpu.memref_squeeze %dma_wait3A_83 : memref<1x128xi32, #tpu.memory_space<hbm>> -> memref<128xi32, #tpu.memory_space<hbm>>
        %dma_wait3A_85 = tpu.memref_slice %arg3[%dma_wait3A_82, %add3A_81] : memref<2x327680xi32, #tpu.memory_space<hbm>> -> memref<1x128xi32, #tpu.memory_space<hbm>>
        %dma_wait3A_86 = tpu.memref_squeeze %dma_wait3A_85 : memref<1x128xi32, #tpu.memory_space<hbm>> -> memref<128xi32, #tpu.memory_space<hbm>>
        tpu.wait_dma2 semaphore(%arg16 : memref<!tpu.dma_semaphore, #tpu.memory_space<semaphore_mem>>) src(%dma_wait3A_86 : memref<128xi32, #tpu.memory_space<hbm>>) dst(%arg7 : memref<128xi32, #tpu.memory_space<vmem>>)
        %add3A_87 = arith.constant 1 : i32
        %add3A_88 = arith.addi %add3A_59, %add3A_87 : i32
        %mul3A_89 = arith.constant 128 : i32
        %mul3A_90 = arith.muli %add3A_88, %mul3A_89 : i32
        %add3A_91 = arith.addi %mul3A_4, %mul3A_90 : i32
        %dma_wait3A_92 = arith.constant 1 : i32
        %dma_wait3A_93 = tpu.memref_slice %arg3[%dma_wait3A_92, %add3A_91] : memref<2x327680xi32, #tpu.memory_space<hbm>> -> memref<1x128xi32, #tpu.memory_space<hbm>>
        %dma_wait3A_94 = tpu.memref_squeeze %dma_wait3A_93 : memref<1x128xi32, #tpu.memory_space<hbm>> -> memref<128xi32, #tpu.memory_space<hbm>>
        %dma_wait3A_95 = tpu.memref_slice %arg3[%dma_wait3A_92, %add3A_91] : memref<2x327680xi32, #tpu.memory_space<hbm>> -> memref<1x128xi32, #tpu.memory_space<hbm>>
        %dma_wait3A_96 = tpu.memref_squeeze %dma_wait3A_95 : memref<1x128xi32, #tpu.memory_space<hbm>> -> memref<128xi32, #tpu.memory_space<hbm>>
        tpu.wait_dma2 semaphore(%arg18 : memref<!tpu.dma_semaphore, #tpu.memory_space<semaphore_mem>>) src(%dma_wait3A_96 : memref<128xi32, #tpu.memory_space<hbm>>) dst(%arg9 : memref<128xi32, #tpu.memory_space<vmem>>)
        %dma_start3A_97 = arith.constant 0 : i32
        %dma_start3A_98 = arith.constant 0 : i32
        %dma_start3A_99 = tpu.memref_slice %arg2[%dma_start3A_97, %dma_start3A_98] : memref<10000x128xf32, #tpu.memory_space<hbm>> -> memref<10000x128xf32, #tpu.memory_space<hbm>>
        tpu.enqueue_indirect_dma source(%dma_start3A_99 : memref<10000x128xf32, #tpu.memory_space<hbm>>) target(%arg11 : memref<128x128xf32, #tpu.memory_space<vmem>>) offsets(%arg7 : memref<128xi32, #tpu.memory_space<vmem>>) semaphore(%arg14 : memref<!tpu.dma_semaphore, #tpu.memory_space<semaphore_mem>>)
      } else {
      }
      "tpu.region"() ({
        %run_scoped3A_77 = tpu.sem_alloc : memref<!tpu.dma_semaphore, #tpu.memory_space<semaphore_mem>>
        %dma_start3A_78 = arith.constant 0 : i32
        %dma_start3A_79 = arith.constant 0 : i32
        %dma_start3A_80 = tpu.memref_slice %arg13[%dma_start3A_78, %dma_start3A_79] : memref<10240x128xf32, #tpu.memory_space<vmem_shared>> -> memref<10240x128xf32, #tpu.memory_space<vmem_shared>>
        tpu.enqueue_indirect_dma source(%arg12 : memref<128x128xf32, #tpu.memory_space<vmem>>) target(%dma_start3A_80 : memref<10240x128xf32, #tpu.memory_space<vmem_shared>>) offsets(%arg10 : memref<128xi32, #tpu.memory_space<vmem>>) semaphore(%run_scoped3A_77 : memref<!tpu.dma_semaphore, #tpu.memory_space<semaphore_mem>>) {add = true}
        %dma_wait3A_81 = arith.constant 0 : i32
        %dma_wait3A_82 = arith.constant 0 : i32
        %dma_wait3A_83 = tpu.memref_slice %arg13[%dma_wait3A_81, %dma_wait3A_82] : memref<10240x128xf32, #tpu.memory_space<vmem_shared>> -> memref<10240x128xf32, #tpu.memory_space<vmem_shared>>
        tpu.wait_indirect_dma semaphore(%run_scoped3A_77 : memref<!tpu.dma_semaphore, #tpu.memory_space<semaphore_mem>>) src(%arg12 : memref<128x128xf32, #tpu.memory_space<vmem>>) dst(%dma_wait3A_83 : memref<10240x128xf32, #tpu.memory_space<vmem_shared>>)
        tpu.yield
      }) : () -> ()
      %add3A_70 = arith.constant 2 : i32
      %add3A_71 = arith.addi %add3A_59, %add3A_70 : i32
      %lt3A_72 = arith.constant 80 : i32
      %lt3A_73 = arith.cmpi slt, %add3A_71, %lt3A_72 : i32
      %convert_element_type3A_74 = arith.extui %lt3A_73 : i1 to i32
      %cond3A_75 = arith.constant 0 : i32
      %cond3A_76 = arith.cmpi ne, %convert_element_type3A_74, %cond3A_75 : i32
      scf.if %cond3A_76 {
        %add3A_77 = arith.constant 2 : i32
        %add3A_78 = arith.addi %add3A_59, %add3A_77 : i32
        %mul3A_79 = arith.constant 128 : i32
        %mul3A_80 = arith.muli %add3A_78, %mul3A_79 : i32
        %add3A_81 = arith.addi %mul3A_4, %mul3A_80 : i32
        %dma_start3A_82 = arith.constant 0 : i32
        %dma_start3A_83 = tpu.memref_slice %arg3[%dma_start3A_82, %add3A_81] : memref<2x327680xi32, #tpu.memory_space<hbm>> -> memref<1x128xi32, #tpu.memory_space<hbm>>
        %dma_start3A_84 = tpu.memref_squeeze %dma_start3A_83 : memref<1x128xi32, #tpu.memory_space<hbm>> -> memref<128xi32, #tpu.memory_space<hbm>>
        %dma_start3A_85 = tpu.memref_slice %arg3[%dma_start3A_82, %add3A_81] : memref<2x327680xi32, #tpu.memory_space<hbm>> -> memref<1x128xi32, #tpu.memory_space<hbm>>
        %dma_start3A_86 = tpu.memref_squeeze %dma_start3A_85 : memref<1x128xi32, #tpu.memory_space<hbm>> -> memref<128xi32, #tpu.memory_space<hbm>>
        tpu.enqueue_dma source(%dma_start3A_86 : memref<128xi32, #tpu.memory_space<hbm>>) target(%arg8 : memref<128xi32, #tpu.memory_space<vmem>>) target_semaphore(%arg17 : memref<!tpu.dma_semaphore, #tpu.memory_space<semaphore_mem>>)
        %add3A_87 = arith.constant 2 : i32
        %add3A_88 = arith.addi %add3A_59, %add3A_87 : i32
        %mul3A_89 = arith.constant 128 : i32
        %mul3A_90 = arith.muli %add3A_88, %mul3A_89 : i32
        %add3A_91 = arith.addi %mul3A_4, %mul3A_90 : i32
        %dma_start3A_92 = arith.constant 1 : i32
        %dma_start3A_93 = tpu.memref_slice %arg3[%dma_start3A_92, %add3A_91] : memref<2x327680xi32, #tpu.memory_space<hbm>> -> memref<1x128xi32, #tpu.memory_space<hbm>>
        %dma_start3A_94 = tpu.memref_squeeze %dma_start3A_93 : memref<1x128xi32, #tpu.memory_space<hbm>> -> memref<128xi32, #tpu.memory_space<hbm>>
        %dma_start3A_95 = tpu.memref_slice %arg3[%dma_start3A_92, %add3A_91] : memref<2x327680xi32, #tpu.memory_space<hbm>> -> memref<1x128xi32, #tpu.memory_space<hbm>>
        %dma_start3A_96 = tpu.memref_squeeze %dma_start3A_95 : memref<1x128xi32, #tpu.memory_space<hbm>> -> memref<128xi32, #tpu.memory_space<hbm>>
        tpu.enqueue_dma source(%dma_start3A_96 : memref<128xi32, #tpu.memory_space<hbm>>) target(%arg10 : memref<128xi32, #tpu.memory_space<vmem>>) target_semaphore(%arg19 : memref<!tpu.dma_semaphore, #tpu.memory_space<semaphore_mem>>)
      } else {
      }
    }
    %scan3A_25 = arith.constant 40 : i32
    %barrier3A_26 = arith.constant 0 : index
    tpu.barrier barrier_id(%barrier3A_26)
    %run_scoped3A_27 = arith.constant 0 : i32
    "tpu.region"() ({
      %run_scoped3A_36 = tpu.sem_alloc : memref<!tpu.dma_semaphore, #tpu.memory_space<semaphore_mem>>
      %dma_start3A_37 = tpu.memref_slice %arg3[%run_scoped3A_27, %mul3A_4] : memref<2x327680xi32, #tpu.memory_space<hbm>> -> memref<1x128xi32, #tpu.memory_space<hbm>>
      %dma_start3A_38 = tpu.memref_squeeze %dma_start3A_37 : memref<1x128xi32, #tpu.memory_space<hbm>> -> memref<128xi32, #tpu.memory_space<hbm>>
      %dma_start3A_39 = tpu.memref_slice %arg3[%run_scoped3A_27, %mul3A_4] : memref<2x327680xi32, #tpu.memory_space<hbm>> -> memref<1x128xi32, #tpu.memory_space<hbm>>
      %dma_start3A_40 = tpu.memref_squeeze %dma_start3A_39 : memref<1x128xi32, #tpu.memory_space<hbm>> -> memref<128xi32, #tpu.memory_space<hbm>>
      tpu.enqueue_dma source(%dma_start3A_40 : memref<128xi32, #tpu.memory_space<hbm>>) target(%arg7 : memref<128xi32, #tpu.memory_space<vmem>>) target_semaphore(%run_scoped3A_36 : memref<!tpu.dma_semaphore, #tpu.memory_space<semaphore_mem>>)
      %dma_wait3A = tpu.memref_slice %arg3[%run_scoped3A_27, %mul3A_4] : memref<2x327680xi32, #tpu.memory_space<hbm>> -> memref<1x128xi32, #tpu.memory_space<hbm>>
      %dma_wait3A_41 = tpu.memref_squeeze %dma_wait3A : memref<1x128xi32, #tpu.memory_space<hbm>> -> memref<128xi32, #tpu.memory_space<hbm>>
      %dma_wait3A_42 = tpu.memref_slice %arg3[%run_scoped3A_27, %mul3A_4] : memref<2x327680xi32, #tpu.memory_space<hbm>> -> memref<1x128xi32, #tpu.memory_space<hbm>>
      %dma_wait3A_43 = tpu.memref_squeeze %dma_wait3A_42 : memref<1x128xi32, #tpu.memory_space<hbm>> -> memref<128xi32, #tpu.memory_space<hbm>>
      tpu.wait_dma2 semaphore(%run_scoped3A_36 : memref<!tpu.dma_semaphore, #tpu.memory_space<semaphore_mem>>) src(%dma_wait3A_43 : memref<128xi32, #tpu.memory_space<hbm>>) dst(%arg7 : memref<128xi32, #tpu.memory_space<vmem>>)
      tpu.yield
    }) : () -> ()
    %barrier3A_28 = arith.constant 0 : index
    tpu.barrier barrier_id(%barrier3A_28)
    %eq3A = arith.constant 0 : i32
    %eq3A_29 = arith.cmpi eq, %arg0, %eq3A : i32
    %convert_element_type3A = arith.extui %eq3A_29 : i1 to i32
    %cond3A = arith.constant 0 : i32
    %cond3A_30 = arith.cmpi ne, %convert_element_type3A, %cond3A : i32
    scf.if %cond3A_30 {
      "tpu.region"() ({
        %run_scoped3A_36 = tpu.sem_alloc : memref<!tpu.dma_semaphore, #tpu.memory_space<semaphore_mem>>
        %dma_start3A_37 = arith.constant 0 : i32
        %dma_start3A_38 = tpu.memref_slice %arg5[%mul3A_2, %dma_start3A_37] : memref<10240x128xf32, #tpu.memory_space<hbm>> -> memref<640x128xf32, #tpu.memory_space<hbm>>
        %dma_start3A_39 = arith.constant 0 : i32
        %dma_start3A_40 = tpu.memref_slice %arg13[%mul3A_2, %dma_start3A_39] : memref<10240x128xf32, #tpu.memory_space<vmem_shared>> -> memref<640x128xf32, #tpu.memory_space<vmem_shared>>
        tpu.enqueue_dma source(%dma_start3A_40 : memref<640x128xf32, #tpu.memory_space<vmem_shared>>) target(%dma_start3A_38 : memref<640x128xf32, #tpu.memory_space<hbm>>) target_semaphore(%run_scoped3A_36 : memref<!tpu.dma_semaphore, #tpu.memory_space<semaphore_mem>>)
        %dma_wait3A = arith.constant 0 : i32
        %dma_wait3A_41 = tpu.memref_slice %arg5[%mul3A_2, %dma_wait3A] : memref<10240x128xf32, #tpu.memory_space<hbm>> -> memref<640x128xf32, #tpu.memory_space<hbm>>
        %dma_wait3A_42 = arith.constant 0 : i32
        %dma_wait3A_43 = tpu.memref_slice %arg13[%mul3A_2, %dma_wait3A_42] : memref<10240x128xf32, #tpu.memory_space<vmem_shared>> -> memref<640x128xf32, #tpu.memory_space<vmem_shared>>
        tpu.wait_dma2 semaphore(%run_scoped3A_36 : memref<!tpu.dma_semaphore, #tpu.memory_space<semaphore_mem>>) src(%dma_wait3A_43 : memref<640x128xf32, #tpu.memory_space<vmem_shared>>) dst(%dma_wait3A_41 : memref<640x128xf32, #tpu.memory_space<hbm>>)
        tpu.yield
      }) : () -> ()
    } else {
    }
    %eq3A_31 = arith.constant 1 : i32
    %eq3A_32 = arith.cmpi eq, %arg0, %eq3A_31 : i32
    %convert_element_type3A_33 = arith.extui %eq3A_32 : i1 to i32
    %cond3A_34 = arith.constant 0 : i32
    %cond3A_35 = arith.cmpi ne, %convert_element_type3A_33, %cond3A_34 : i32
    scf.if %cond3A_35 {
      "tpu.region"() ({
        %run_scoped3A_36 = tpu.sem_alloc : memref<!tpu.dma_semaphore, #tpu.memory_space<semaphore_mem>>
        %dma_start3A_37 = arith.constant 0 : i32
        %dma_start3A_38 = tpu.memref_slice %arg6[%mul3A_2, %dma_start3A_37] : memref<10240x128xf32, #tpu.memory_space<hbm>> -> memref<640x128xf32, #tpu.memory_space<hbm>>
        %dma_start3A_39 = arith.constant 0 : i32
        %dma_start3A_40 = tpu.memref_slice %arg13[%mul3A_2, %dma_start3A_39] : memref<10240x128xf32, #tpu.memory_space<vmem_shared>> -> memref<640x128xf32, #tpu.memory_space<vmem_shared>>
        tpu.enqueue_dma source(%dma_start3A_40 : memref<640x128xf32, #tpu.memory_space<vmem_shared>>) target(%dma_start3A_38 : memref<640x128xf32, #tpu.memory_space<hbm>>) target_semaphore(%run_scoped3A_36 : memref<!tpu.dma_semaphore, #tpu.memory_space<semaphore_mem>>)
        %dma_wait3A = arith.constant 0 : i32
        %dma_wait3A_41 = tpu.memref_slice %arg6[%mul3A_2, %dma_wait3A] : memref<10240x128xf32, #tpu.memory_space<hbm>> -> memref<640x128xf32, #tpu.memory_space<hbm>>
        %dma_wait3A_42 = arith.constant 0 : i32
        %dma_wait3A_43 = tpu.memref_slice %arg13[%mul3A_2, %dma_wait3A_42] : memref<10240x128xf32, #tpu.memory_space<vmem_shared>> -> memref<640x128xf32, #tpu.memory_space<vmem_shared>>
        tpu.wait_dma2 semaphore(%run_scoped3A_36 : memref<!tpu.dma_semaphore, #tpu.memory_space<semaphore_mem>>) src(%dma_wait3A_43 : memref<640x128xf32, #tpu.memory_space<vmem_shared>>) dst(%dma_wait3A_41 : memref<640x128xf32, #tpu.memory_space<hbm>>)
        tpu.yield
      }) : () -> ()
    } else {
    }
    return
  }
}

module attributes {stable_mosaic.version = 14 : i64} {
  func.func @_t1_body(%arg0: i32, %arg1: memref<1000x128xf32, #tpu.memory_space<vmem>>, %arg2: memref<1000x128xf32, #tpu.memory_space<vmem>>, %arg3: memref<1000x128xf32, #tpu.memory_space<vmem>>, %arg4: memref<1000x1xf32, #tpu.memory_space<vmem>>, %arg5: memref<128x256xf32, #tpu.memory_space<vmem>>, %arg6: memref<1x256xf32, #tpu.memory_space<vmem>>, %arg7: memref<256x128xf32, #tpu.memory_space<vmem>>, %arg8: memref<1000x128xf32, #tpu.memory_space<vmem>>) attributes {dimension_semantics = [#tpu.dimension_semantics<arbitrary>], iteration_bounds = array<i64: 10>, scalar_prefetch = 0 : i64, scratch_operands = 0 : i64, tpu.core_type = #tpu.core_type<tc>, window_params = [{transform_indices = @transform_0, window_bounds = array<i64: 1000, 128>}, {transform_indices = @transform_1, window_bounds = array<i64: 1000, 128>}, {transform_indices = @transform_2, window_bounds = array<i64: 1000, 128>}, {transform_indices = @transform_3, window_bounds = array<i64: 1000, 1>}, {pipeline_mode = #tpu.pipeline_mode<synchronous>, transform_indices = @transform_4, window_bounds = array<i64: 128, 256>}, {pipeline_mode = #tpu.pipeline_mode<synchronous>, transform_indices = @transform_5, window_bounds = array<i64: 1, 256>}, {pipeline_mode = #tpu.pipeline_mode<synchronous>, transform_indices = @transform_6, window_bounds = array<i64: 256, 128>}, {transform_indices = @transform_7, window_bounds = array<i64: 1000, 128>}]} {
    %get3A = arith.constant 0 : index
    %get3A_0 = arith.constant 0 : index
    %get3A_1 = vector.load %arg4[%get3A, %get3A_0] : memref<1000x1xf32, #tpu.memory_space<vmem>>, vector<1000x1xf32>
    %get3A_2 = arith.constant 0 : index
    %get3A_3 = arith.constant 0 : index
    %get3A_4 = vector.load %arg1[%get3A_2, %get3A_3] : memref<1000x128xf32, #tpu.memory_space<vmem>>, vector<1000x128xf32>
    %get3A_5 = arith.constant 0 : index
    %get3A_6 = arith.constant 0 : index
    %get3A_7 = vector.load %arg2[%get3A_5, %get3A_6] : memref<1000x128xf32, #tpu.memory_space<vmem>>, vector<1000x128xf32>
    %add3A = arith.addf %get3A_4, %get3A_7 : vector<1000x128xf32>
    %get3A_8 = arith.constant 0 : index
    %get3A_9 = arith.constant 0 : index
    %get3A_10 = vector.load %arg3[%get3A_8, %get3A_9] : memref<1000x128xf32, #tpu.memory_space<vmem>>, vector<1000x128xf32>
    %add3A_11 = arith.addf %add3A, %get3A_10 : vector<1000x128xf32>
    %mul3A = vector.broadcast %get3A_1 : vector<1000x1xf32> to vector<1000x128xf32>
    %mul3A_12 = arith.mulf %add3A_11, %mul3A : vector<1000x128xf32>
    %get3A_13 = arith.constant 0 : index
    %get3A_14 = arith.constant 0 : index
    %get3A_15 = vector.load %arg5[%get3A_13, %get3A_14] : memref<128x256xf32, #tpu.memory_space<vmem>>, vector<128x256xf32>
    %dot_general3A = arith.constant dense<0.000000e+00> : vector<1000x256xf32>
    %dot_general3A_16 = tpu.matmul %mul3A_12, %get3A_15, %dot_general3A {dimension_numbers = #tpu.dot_dimension_numbers<[1], [0], [0], [1], [0, 0, 1, 1], [], []>, transpose_lhs_hint = false} : vector<1000x128xf32>, vector<128x256xf32>, vector<1000x256xf32> -> vector<1000x256xf32>
    %get3A_17 = arith.constant 0 : index
    %get3A_18 = arith.constant 0 : index
    %get3A_19 = vector.load %arg6[%get3A_17, %get3A_18] : memref<1x256xf32, #tpu.memory_space<vmem>>, vector<1x256xf32>
    %add3A_20 = vector.broadcast %get3A_19 : vector<1x256xf32> to vector<1000x256xf32>
    %add3A_21 = arith.addf %dot_general3A_16, %add3A_20 : vector<1000x256xf32>
    %max3A = arith.constant 0.000000e+00 : f32
    %max3A_22 = vector.broadcast %max3A : f32 to vector<1000x256xf32>
    %max3A_23 = arith.maximumf %add3A_21, %max3A_22 : vector<1000x256xf32>
    %get3A_24 = arith.constant 0 : index
    %get3A_25 = arith.constant 0 : index
    %get3A_26 = vector.load %arg7[%get3A_24, %get3A_25] : memref<256x128xf32, #tpu.memory_space<vmem>>, vector<256x128xf32>
    %dot_general3A_27 = arith.constant dense<0.000000e+00> : vector<1000x128xf32>
    %dot_general3A_28 = tpu.matmul %max3A_23, %get3A_26, %dot_general3A_27 {dimension_numbers = #tpu.dot_dimension_numbers<[1], [0], [0], [1], [0, 0, 1, 1], [], []>, transpose_lhs_hint = false} : vector<1000x256xf32>, vector<256x128xf32>, vector<1000x128xf32> -> vector<1000x128xf32>
    %mul3A_29 = vector.broadcast %get3A_1 : vector<1000x1xf32> to vector<1000x128xf32>
    %mul3A_30 = arith.mulf %dot_general3A_28, %mul3A_29 : vector<1000x128xf32>
    %swap3A = arith.constant 0 : index
    %swap3A_31 = arith.constant 0 : index
    %swap3A_32 = vector.load %arg8[%swap3A, %swap3A_31] : memref<1000x128xf32, #tpu.memory_space<vmem>>, vector<1000x128xf32>
    tpu.vector_store %arg8[%swap3A, %swap3A_31], %mul3A_30 {strides = array<i32>} : memref<1000x128xf32, #tpu.memory_space<vmem>>, vector<1000x128xf32>,
    return
  }
  func.func @transform_0(%arg0: i32) -> (i32, i32) {
    %c0_i32 = arith.constant 0 : i32
    %c0_i32_0 = arith.constant 0 : i32
    return %arg0, %c0_i32 : i32, i32
  }
  func.func @transform_1(%arg0: i32) -> (i32, i32) {
    %c0_i32 = arith.constant 0 : i32
    %c0_i32_0 = arith.constant 0 : i32
    return %arg0, %c0_i32 : i32, i32
  }
  func.func @transform_2(%arg0: i32) -> (i32, i32) {
    %c0_i32 = arith.constant 0 : i32
    %c0_i32_0 = arith.constant 0 : i32
    return %arg0, %c0_i32 : i32, i32
  }
  func.func @transform_3(%arg0: i32) -> (i32, i32) {
    %c0_i32 = arith.constant 0 : i32
    %c0_i32_0 = arith.constant 0 : i32
    return %arg0, %c0_i32 : i32, i32
  }
  func.func @transform_4(%arg0: i32) -> (i32, i32) {
    %c0_i32 = arith.constant 0 : i32
    %c0_i32_0 = arith.constant 0 : i32
    %c0_i32_1 = arith.constant 0 : i32
    return %c0_i32, %c0_i32_0 : i32, i32
  }
  func.func @transform_5(%arg0: i32) -> (i32, i32) {
    %c0_i32 = arith.constant 0 : i32
    %c0_i32_0 = arith.constant 0 : i32
    %c0_i32_1 = arith.constant 0 : i32
    return %c0_i32, %c0_i32_0 : i32, i32
  }
  func.func @transform_6(%arg0: i32) -> (i32, i32) {
    %c0_i32 = arith.constant 0 : i32
    %c0_i32_0 = arith.constant 0 : i32
    %c0_i32_1 = arith.constant 0 : i32
    return %c0_i32, %c0_i32_0 : i32, i32
  }
  func.func @transform_7(%arg0: i32) -> (i32, i32) {
    %c0_i32 = arith.constant 0 : i32
    %c0_i32_0 = arith.constant 0 : i32
    return %arg0, %c0_i32 : i32, i32
  }
}

module attributes {stable_mosaic.version = 14 : i64} {
  func.func @_t0_body(%arg0: i32, %arg1: memref<1000x1xf32, #tpu.memory_space<vmem>>, %arg2: memref<1000x1xf32, #tpu.memory_space<vmem>>, %arg3: memref<1000x128xf32, #tpu.memory_space<vmem>>, %arg4: memref<1000x1xf32, #tpu.memory_space<vmem>>, %arg5: memref<1000x128xf32, #tpu.memory_space<vmem>>) attributes {dimension_semantics = [#tpu.dimension_semantics<arbitrary>], iteration_bounds = array<i64: 10>, scalar_prefetch = 0 : i64, scratch_operands = 0 : i64, tpu.core_type = #tpu.core_type<tc>, window_params = [{transform_indices = @transform_0, window_bounds = array<i64: 1000, 1>}, {transform_indices = @transform_1, window_bounds = array<i64: 1000, 1>}, {transform_indices = @transform_2, window_bounds = array<i64: 1000, 128>}, {transform_indices = @transform_3, window_bounds = array<i64: 1000, 1>}, {transform_indices = @transform_4, window_bounds = array<i64: 1000, 128>}]} {
    %get3A = arith.constant 0 : index
    %get3A_0 = arith.constant 0 : index
    %get3A_1 = vector.load %arg1[%get3A, %get3A_0] : memref<1000x1xf32, #tpu.memory_space<vmem>>, vector<1000x1xf32>
    %get3A_2 = arith.constant 0 : index
    %get3A_3 = arith.constant 0 : index
    %get3A_4 = vector.load %arg2[%get3A_2, %get3A_3] : memref<1000x1xf32, #tpu.memory_space<vmem>>, vector<1000x1xf32>
    %add3A = arith.addf %get3A_1, %get3A_4 : vector<1000x1xf32>
    %add3A_5 = arith.constant 1.000000e+00 : f32
    %add3A_6 = vector.broadcast %add3A_5 : f32 to vector<1000x1xf32>
    %add3A_7 = arith.addf %add3A, %add3A_6 : vector<1000x1xf32>
    %rsqrt3A = math.rsqrt %add3A_7 : vector<1000x1xf32>
    %swap3A = arith.constant 0 : index
    %swap3A_8 = arith.constant 0 : index
    %swap3A_9 = vector.load %arg4[%swap3A, %swap3A_8] : memref<1000x1xf32, #tpu.memory_space<vmem>>, vector<1000x1xf32>
    tpu.vector_store %arg4[%swap3A, %swap3A_8], %rsqrt3A {strides = array<i32>} : memref<1000x1xf32, #tpu.memory_space<vmem>>, vector<1000x1xf32>,
    %get3A_10 = arith.constant 0 : index
    %get3A_11 = arith.constant 0 : index
    %get3A_12 = vector.load %arg3[%get3A_10, %get3A_11] : memref<1000x128xf32, #tpu.memory_space<vmem>>, vector<1000x128xf32>
    %mul3A = vector.broadcast %rsqrt3A : vector<1000x1xf32> to vector<1000x128xf32>
    %mul3A_13 = arith.mulf %get3A_12, %mul3A : vector<1000x128xf32>
    %swap3A_14 = arith.constant 0 : index
    %swap3A_15 = arith.constant 0 : index
    %swap3A_16 = vector.load %arg5[%swap3A_14, %swap3A_15] : memref<1000x128xf32, #tpu.memory_space<vmem>>, vector<1000x128xf32>
    tpu.vector_store %arg5[%swap3A_14, %swap3A_15], %mul3A_13 {strides = array<i32>} : memref<1000x128xf32, #tpu.memory_space<vmem>>, vector<1000x128xf32>,
    return
  }
  func.func @transform_0(%arg0: i32) -> (i32, i32) {
    %c0_i32 = arith.constant 0 : i32
    %c0_i32_0 = arith.constant 0 : i32
    return %arg0, %c0_i32 : i32, i32
  }
  func.func @transform_1(%arg0: i32) -> (i32, i32) {
    %c0_i32 = arith.constant 0 : i32
    %c0_i32_0 = arith.constant 0 : i32
    return %arg0, %c0_i32 : i32, i32
  }
  func.func @transform_2(%arg0: i32) -> (i32, i32) {
    %c0_i32 = arith.constant 0 : i32
    %c0_i32_0 = arith.constant 0 : i32
    return %arg0, %c0_i32 : i32, i32
  }
  func.func @transform_3(%arg0: i32) -> (i32, i32) {
    %c0_i32 = arith.constant 0 : i32
    %c0_i32_0 = arith.constant 0 : i32
    return %arg0, %c0_i32 : i32, i32
  }
  func.func @transform_4(%arg0: i32) -> (i32, i32) {
    %c0_i32 = arith.constant 0 : i32
    %c0_i32_0 = arith.constant 0 : i32
    return %arg0, %c0_i32 : i32, i32
  }
}

module attributes {stable_mosaic.version = 14 : i64} {
  func.func @_t2_body(%arg0: i32, %arg1: memref<1000x128xf32, #tpu.memory_space<vmem>>, %arg2: memref<1000x128xf32, #tpu.memory_space<vmem>>, %arg3: memref<1000x128xf32, #tpu.memory_space<vmem>>, %arg4: memref<1000x1xf32, #tpu.memory_space<vmem>>, %arg5: memref<1x128xf32, #tpu.memory_space<vmem>>, %arg6: memref<1000x128xf32, #tpu.memory_space<vmem>>) attributes {dimension_semantics = [#tpu.dimension_semantics<arbitrary>], iteration_bounds = array<i64: 10>, scalar_prefetch = 0 : i64, scratch_operands = 0 : i64, tpu.core_type = #tpu.core_type<tc>, window_params = [{transform_indices = @transform_0, window_bounds = array<i64: 1000, 128>}, {transform_indices = @transform_1, window_bounds = array<i64: 1000, 128>}, {transform_indices = @transform_2, window_bounds = array<i64: 1000, 128>}, {transform_indices = @transform_3, window_bounds = array<i64: 1000, 1>}, {pipeline_mode = #tpu.pipeline_mode<synchronous>, transform_indices = @transform_4, window_bounds = array<i64: 1, 128>}, {transform_indices = @transform_5, window_bounds = array<i64: 1000, 128>}]} {
    %get3A = arith.constant 0 : index
    %get3A_0 = arith.constant 0 : index
    %get3A_1 = vector.load %arg1[%get3A, %get3A_0] : memref<1000x128xf32, #tpu.memory_space<vmem>>, vector<1000x128xf32>
    %get3A_2 = arith.constant 0 : index
    %get3A_3 = arith.constant 0 : index
    %get3A_4 = vector.load %arg2[%get3A_2, %get3A_3] : memref<1000x128xf32, #tpu.memory_space<vmem>>, vector<1000x128xf32>
    %add3A = arith.addf %get3A_1, %get3A_4 : vector<1000x128xf32>
    %get3A_5 = arith.constant 0 : index
    %get3A_6 = arith.constant 0 : index
    %get3A_7 = vector.load %arg3[%get3A_5, %get3A_6] : memref<1000x128xf32, #tpu.memory_space<vmem>>, vector<1000x128xf32>
    %add3A_8 = arith.addf %add3A, %get3A_7 : vector<1000x128xf32>
    %get3A_9 = arith.constant 0 : index
    %get3A_10 = arith.constant 0 : index
    %get3A_11 = vector.load %arg4[%get3A_9, %get3A_10] : memref<1000x1xf32, #tpu.memory_space<vmem>>, vector<1000x1xf32>
    %mul3A = vector.broadcast %get3A_11 : vector<1000x1xf32> to vector<1000x128xf32>
    %mul3A_12 = arith.mulf %add3A_8, %mul3A : vector<1000x128xf32>
    %get3A_13 = arith.constant 0 : index
    %get3A_14 = arith.constant 0 : index
    %get3A_15 = vector.load %arg5[%get3A_13, %get3A_14] : memref<1x128xf32, #tpu.memory_space<vmem>>, vector<1x128xf32>
    %add3A_16 = vector.broadcast %get3A_15 : vector<1x128xf32> to vector<1000x128xf32>
    %add3A_17 = arith.addf %mul3A_12, %add3A_16 : vector<1000x128xf32>
    %swap3A = arith.constant 0 : index
    %swap3A_18 = arith.constant 0 : index
    %swap3A_19 = vector.load %arg6[%swap3A, %swap3A_18] : memref<1000x128xf32, #tpu.memory_space<vmem>>, vector<1000x128xf32>
    tpu.vector_store %arg6[%swap3A, %swap3A_18], %add3A_17 {strides = array<i32>} : memref<1000x128xf32, #tpu.memory_space<vmem>>, vector<1000x128xf32>,
    return
  }
  func.func @transform_0(%arg0: i32) -> (i32, i32) {
    %c0_i32 = arith.constant 0 : i32
    %c0_i32_0 = arith.constant 0 : i32
    return %arg0, %c0_i32 : i32, i32
  }
  func.func @transform_1(%arg0: i32) -> (i32, i32) {
    %c0_i32 = arith.constant 0 : i32
    %c0_i32_0 = arith.constant 0 : i32
    return %arg0, %c0_i32 : i32, i32
  }
  func.func @transform_2(%arg0: i32) -> (i32, i32) {
    %c0_i32 = arith.constant 0 : i32
    %c0_i32_0 = arith.constant 0 : i32
    return %arg0, %c0_i32 : i32, i32
  }
  func.func @transform_3(%arg0: i32) -> (i32, i32) {
    %c0_i32 = arith.constant 0 : i32
    %c0_i32_0 = arith.constant 0 : i32
    return %arg0, %c0_i32 : i32, i32
  }
  func.func @transform_4(%arg0: i32) -> (i32, i32) {
    %c0_i32 = arith.constant 0 : i32
    %c0_i32_0 = arith.constant 0 : i32
    %c0_i32_1 = arith.constant 0 : i32
    return %c0_i32, %c0_i32_0 : i32, i32
  }
  func.func @transform_5(%arg0: i32) -> (i32, i32) {
    %c0_i32 = arith.constant 0 : i32
    %c0_i32_0 = arith.constant 0 : i32
    return %arg0, %c0_i32 : i32, i32
  }
}

</mosaic_0001>

<sc_bundles>
// kernel: kernel.11.cloned.1.call-start
scs
__scs_entry_jumppad:
0x0: {  	(pc) =	sbr.rel $0x88, $3  }
0x1: {  	(tag) =	ssettag $0x0;
	lr =	simm.s32 $0x1  }
0x2: {  	[smem:$0x3F9B] =	sst lr;
	_ =	strace $0xD0000000  }
0x3: {  	_ = 	snop  }
0x4: {  	_ = 	snop  }
0x5: {  	_ = 	snop  }
0x6: {  	_ = 	snop  }
0x7: {  	_ = 	snop  }
__scs_overlays_trampoline_lowered:
0x8: {  	[smem:$0x3FAA] =	sst s0  }
0x9: {  	[smem:$0x3FAB] =	sst s1  }
0xa: {  	[smem:$0x3FAC] =	sst s2  }
0xb: {  	[smem:$0x3FAD] =	sst s3  }
0xc: {  	[smem:$0x3FAE] =	sst s4  }
0xd: {  	[smem:$0x3FAF] =	sst s5  }
0xe: {  	[smem:$0x3FB0] =	sst s6  }
0xf: {  	[smem:$0x3FB1] =	sst s7  }
0x10: {  	[smem:$0x3FB2] =	sst s8  }
0x11: {  	[smem:$0x3FB3] =	sst s9;
	s0 =	simm.s32 @!p0 $0x0  }
0x12: {  	s1 =	sld [smem:$0x3F99];
	s0 =	simm.s32 @p0 $0x1  }
0x13: {  	[smem:$0x3FB4] =	sst s0;
	s0 =	simm.s32 @!p1 $0x0  }
0x14: {  	s2 =	sld [smem:$0x3F98];
	s0 =	simm.s32 @p1 $0x1  }
0x15: {  	[smem:$0x3FB5] =	sst s0;
	s0 =	simm.s32 @!p2 $0x0  }
0x16: {  	s3 =	sld [smem:$0x3FDB];
	s0 =	simm.s32 @p2 $0x1  }
0x17: {  	s4 =	simm.s32 $0x1BF5;
	[smem:$0x3FB7] =	sst s0  }
0x18: {  	s0 =	sld [smem:$0x3F9A];
	_ =	swait.ge [sflag:s4], $0x0  }
0x19: {  	s7 =	sld [smem:$0x3F9B]  }
0x1a: {  	s8 =	sadd.s32 $0xFFFFE003, lr  }
0x1b: {  	s9 =	sadd.s32 $0xFFFFFEF7, lr;
	s5 =	simm.s32 $0xFFFFFFFF;
	p2 =	slt.u32 s8, $0xFFFFF086  }
0x1c: {  	p1 =	slt.u32 s9, $0xF7A;
	s5 =	simm.s32 @!p2 $0x0  }
0x1d: {  	s5 =	simm.s32 @p1 $0x1;
	p0 =	seq.s32 s7, s2  }
0x1e: {  	s7 =	smul.u32 @!p0 $0xF7A, s2;
	p2 =	seq.s32 @!p0 s5, $0x0  }
0x1f: {  	s9 =	smul.u32 $0xF7A, s1;
	s8 =	simm.s32 @!p0 $0x1BF5;
	p2 =	por !p2, p0  }
0x20: {  	[sflag:s8] =	ssyncset.s32 @!p0 $0xFFFFF086;
	s6 =	sadd.s32 @!p0 s3, s7;
	s7 =	simm.s32 @!p0 $0x108  }
0x21: {  	s3 =	sadd.s32 s3, s9;
	s6 =	sadd.s32 @!p0 $0x88, s6;
	s7 =	simm.s32 @p2 $0x1082  }
0x22: {  	[simem:s7], [sflag:s8] =	dma.local @!p0 [hbm:s6], $0xF7A  }
0x23: {  	s9 =	sor.u32 $0xD0000000, s2;
	s6 =	simm.s32 $0x108;
	_ =	swait.ge @!p0 [sflag:s8], $0x0  }
0x24: {  	s3 =	sadd.s32 $0x88, s3;
	s6 =	simm.s32 @!p1 $0x1082;
	[sflag:s4] =	ssyncset.s32 $0xFFFFF086  }
0x25: {  	[simem:s6], [sflag:s4] =	dma.local [hbm:s3], $0xF7A  }
0x26: {  	[smem:$0x3F9B] =	sst s1;
	(tag) =	ssettag s2;
	_ =	strace s9  }
0x27: {  	s1 =	sld [smem:$0x3FAB]  }
0x28: {  	s2 =	sld [smem:$0x3FAC]  }
0x29: {  	s4 =	sld [smem:$0x3FAE]  }
0x2a: {  	p0 =	seq.s32 s5, $0x0;
	s5 =	sld [smem:$0x3FAF]  }
0x2b: {  	s6 =	sld [smem:$0x3FB0]  }
0x2c: {  	s7 =	sld [smem:$0x3FB1]  }
0x2d: {  	s3 =	simm.s32 $0x108;
	s8 =	sld [smem:$0x3FB2]  }
0x2e: {  	s3 =	simm.s32 @!p0 $0x1082;
	s9 =	sld [smem:$0x3FB3]  }
0x2f: {  	lr =	sadd.s32 s0, s3;
	s0 =	sld [smem:$0x3FAA]  }
0x30: {  	s3 =	sld [smem:$0x3FAD]  }
0x31: {  	[smem:$0x3FB6] =	sst s10  }
0x32: {  	s10 =	sld [smem:$0x3FB4];
	_ =	sdelay $0x3  }
0x33: {  	p0 =	seq.s32 s10, $0x1;
	s10 =	sld [smem:$0x3FB6];
	_ =	sdelay $0x3  }
0x34: {  	[smem:$0x3FB6] =	sst s10  }
0x35: {  	s10 =	sld [smem:$0x3FB5];
	_ =	sdelay $0x3  }
0x36: {  	p1 =	seq.s32 s10, $0x1;
	s10 =	sld [smem:$0x3FB6];
	_ =	sdelay $0x3  }
0x37: {  	[smem:$0x3FB6] =	sst s10  }
0x38: {  	s10 =	sld [smem:$0x3FB7]  }
0x39: {  	_ = 	snop;
	(pc) =	sbr.ind lr, $3  }
0x3a: {  	_ = 	snop  }
0x3b: {  	_ = 	snop  }
0x3c: {  	p2 =	seq.s32 s10, $0x1;
	s10 =	sld [smem:$0x3FB6]  }
0x3d: {  	_ =	shalt  }
0x3e: {  	_ =	shalt  }
0x3f: {  	_ =	shalt  }
0x40: {  	_ =	shalt  }
0x41: {  	_ =	shalt  }
0x42: {  	_ =	shalt  }
0x43: {  	_ =	shalt  }
0x44: {  	_ =	shalt  }
0x45: {  	_ =	shalt  }
0x46: {  	_ =	shalt  }
0x47: {  	_ =	shalt  }
0x48: {  	_ =	shalt  }
0x49: {  	_ =	shalt  }
0x4a: {  	_ =	shalt  }
0x4b: {  	_ =	shalt  }
0x4c: {  	_ =	shalt  }
0x4d: {  	_ =	shalt  }
0x4e: {  	_ =	shalt  }
0x4f: {  	_ =	shalt  }
0x50: {  	_ =	shalt  }
0x51: {  	_ =	shalt  }
0x52: {  	_ =	shalt  }
0x53: {  	_ =	shalt  }
0x54: {  	_ =	shalt  }
0x55: {  	_ =	shalt  }
0x56: {  	_ =	shalt  }
0x57: {  	_ =	shalt  }
0x58: {  	_ =	shalt  }
0x59: {  	_ =	shalt  }
0x5a: {  	_ =	shalt  }
0x5b: {  	_ =	shalt  }
0x5c: {  	_ =	shalt  }
0x5d: {  	_ =	shalt  }
0x5e: {  	_ =	shalt  }
0x5f: {  	_ =	shalt  }
0x60: {  	_ =	shalt  }
0x61: {  	_ =	shalt  }
0x62: {  	_ =	shalt  }
0x63: {  	_ =	shalt  }
0x64: {  	_ =	shalt  }
0x65: {  	_ =	shalt  }
0x66: {  	_ =	shalt  }
0x67: {  	_ =	shalt  }
0x68: {  	_ =	shalt  }
0x69: {  	_ =	shalt  }
0x6a: {  	_ =	shalt  }
0x6b: {  	_ =	shalt  }
0x6c: {  	_ =	shalt  }
0x6d: {  	_ =	shalt  }
0x6e: {  	_ =	shalt  }
0x6f: {  	_ =	shalt  }
0x70: {  	_ =	shalt  }
0x71: {  	_ =	shalt  }
0x72: {  	_ =	shalt  }
0x73: {  	_ =	shalt  }
0x74: {  	_ =	shalt  }
0x75: {  	_ =	shalt  }
0x76: {  	_ =	shalt  }
0x77: {  	_ =	shalt  }
0x78: {  	_ =	shalt  }
0x79: {  	_ =	shalt  }
0x7a: {  	_ =	shalt  }
0x7b: {  	_ =	shalt  }
0x7c: {  	_ =	shalt  }
0x7d: {  	_ =	shalt  }
0x7e: {  	_ =	shalt  }
0x7f: {  	_ =	shalt  }
0x80: {  	_ =	shalt  }
0x81: {  	_ =	shalt  }
0x82: {  	_ =	shalt  }
0x83: {  	_ =	shalt  }
0x84: {  	_ =	shalt  }
0x85: {  	_ =	shalt  }
0x86: {  	_ =	shalt  }
0x87: {  	_ =	shalt  }
.Lfunc_end0:
.L_simem_size_0:
called_computation.1_lowered:
.L_overlay_start_0:
0x88: {  	s2 =	sld [smem:$0x3FD9]  }
0x89: {  	s3 =	sld [smem:$0x3FFE];
	_ =	sdelay $0x1  }
0x8a: {  	s1 =	srdreg.scid  }
0x8b: {  	s0 =	sand.u32 $0x1, s1  }
0x8c: {  	s17 =	sshll.u32 s0, $0xA;
	s2 =	sadd.s32 s3, s2  }
0x8d: {  	s2 =	sadd.s32 s2, s17  }
0x8e: {  	[smem:$0x3FC2] =	sst s2  }
0x8f: {  	_ = 	snop  }
0x90: {  	s2 =	sld [smem:$0x3FD0];
	(tm) =	ssettm $0x1  }
0x91: {  	s18 =	sld [smem:$0x3FFB];
	_ =	sdelay $0x3  }
0x92: {  	_ =	strace s18  }
0x93: {  	s3 =	sld [smem:$0x3FFC];
	_ =	sdelay $0x3  }
0x94: {  	_ =	strace s3  }
0x95: {  	s3 =	sld [smem:$0x3FFD];
	_ =	sdelay $0x3  }
0x96: {  	_ =	strace s3  }
0x97: {  	_ =	strace $0x8FFFFFFF  }
0x98: {  	s19 =	sld [smem:$0x3FDB];
	_ =	sdelay $0x1  }
0x99: {  	s4 =	simm.s32 $_scs_section_size  }
0x9a: {  	s5 =	simm.s32 $_size__tile_overlayer_lowered;
	s6 =	simm.s32 $_tile_overlayer_lowered  }
0x9b: {  	s22 =	simm.s32 $0x1BFF;
	s21 =	sshll.u32 s6, $0x1;
	s3 =	sadd.s32 s4, s19  }
0x9c: {  	s7 =	simm.s32 $0x0;
	s20 =	sshll.u32 s5, $0x1;
	s5 =	sadd.s32 s21, s3  }
0x9d: {  	[timem:s7], [sflag:s22] =	dma.local [hbm:s5], s20  }
0x9e: {  	_ =	swait.ge [sflag:s22], s20  }
0x9f: {  	s4 =	ssub.s32 $0x0, s20;
	[sflag:s22] =	ssyncset.done $0x0  }
0xa0: {  	[sflag:s22] =	ssyncadd.s32 s4;
	_ =	sdelay $0x1  }
0xa1: {  	s23 =	simm.s32 $0x1B8B  }
0xa2: {  	_ =	swait.ge [sflag:s23], $0x1  }
0xa3: {  	[sflag:s23] =	ssyncset.done $0x0  }
0xa4: {  	s25 =	simm.s32 $0x1B8E;
	s24 =	sld [smem:$0x3FFE];
	[sflag:s23] =	ssyncadd.s32 $0xFFFFFFFF  }
0xa5: {  	s26 =	simm.s32 $execute0_lowered;
	[smem:$0x3FD2] =	sst s25  }
0xa6: {  	s5 =	sshll.u32 s26, $0x1;
	_ =	strace $0x80000049;
	[dreg:$0x1] =	wrdreg $0xFFFFFFFF  }
0xa7: {  	s28 =	simm.s32 $_size_execute0_lowered;
	s3 =	sadd.s32 s3, s5;
	[dreg:$0x0] =	wrdreg $0x0  }
0xa8: {  	s5 =	sshll.u32 s28, $0x1;
	[dreg:$0x2] =	wrdreg s3  }
0xa9: {  	[dreg:$0x3] =	wrdreg s5  }
0xaa: {  	[dreg:$0x4] =	wrdreg $0xC0  }
0xab: {  	_ =	task [dreg:s7], $0x5FFFF  }
0xac: {  	[dreg:$0x1] =	wrdreg $0xFFFFFFFF  }
0xad: {  	[dreg:$0x0] =	wrdreg $0x60  }
0xae: {  	[dreg:$0x2] =	wrdreg s2  }
0xaf: {  	[dreg:$0x3] =	wrdreg s24  }
0xb0: {  	[dreg:$0x4] =	wrdreg $0x82000  }
0xb1: {  	[dreg:$0x5] =	wrdreg $0x9  }
0xb2: {  	_ =	task.clear_ibuf [dreg:s7], $0x6FFFF;
	_ =	strace $0x90000049  }
0xb3: {  	s29 =	simm.s32 $0x9;
	_ =	strace $0x8000004B  }
0xb4: {  	_ =	swait.ge [sflag:s29], $0x1  }
0xb5: {  	[sflag:s29] =	ssyncadd.s32 $0xFFFFFFFF  }
0xb6: {  	_ =	strace $0x9000004B  }
0xb7: {  	_ =	sfence  }
0xb8: {  	s30 =	sld [smem:$0x0];
	_ =	sdelay $0x2  }
0xb9: {  	s31 =	sshll.u32 s1, $0xD;
	s1 =	sshrl.u32 s1, $0x2  }
0xba: {  	s3 =	sand.u32 $0x4000, s31;
	s1 =	sadd.s32 s1, s30  }
0xbb: {  	s0 =	sor.u32 s3, s0;
	s1 =	sshll.u32 s1, $0x11  }
0xbc: {  	s0 =	sor.u32 s1, s0  }
0xbd: {  	s0 =	sadd.s32 $0x8F2B, s0  }
0xbe: {  	[sflag:s0] =	ssyncadd.remote.s32 $0x1  }
0xbf: {  	_ =	sfence.sel $0xFFFF  }
0xc0: {  	[dreg:$0x0] =	wrdreg $0xFFFFFFFF;
	(pc) =	sbr.abs _section_cstart, $3  }
0xc1: {  	[dreg:$0x1] =	wrdreg $0xFFFFFFFF  }
0xc2: {  	_ =	task.clear_ibuf [dreg:s7], $0x2FFFF;
	_ =	strace $0x9FFFFFFF  }
0xc3: {  	(tm) =	ssettm $0x7FFFFFFF  }
tec
execute0_lowered:
.L_overlay_start_1:
0x0: {  	(tag) =	ssettag $0x1  }
0x1: {  	s1 =	rddreg [dreg:$0x0]  }
0x2: {  	s5 =	rddreg [dreg:$0x1]  }
0x3: {  	s2 =	rddreg [dreg:$0x2]  }
0x4: {  	s0 =	rddreg [dreg:$0x3]  }
0x5: {  	s4 =	simm.s32 $0x0;
	s6 =	srdreg.scid;
	s3 =	stileid.u32  }
0x6: {  	s15 =	simm.s32 $0x67C00;
	s18 =	simm.s32 $0x180;
	s19 =	simm.s32 $0x200  }
0x7: {  	s20 =	simm.s32 $0x1;
	s21 =	simm.s32 $0x4;
	s22 =	simm.s32 $0x6  }
0x8: {  	s23 =	simm.s32 $0x4200;
	s24 =	simm.s32 $0x2;
	s25 =	simm.s32 $0x3  }
0x9: {  	s26 =	simm.s32 $0x5;
	s28 =	simm.s32 $0x0;
	s7 =	smul.u32 $0x50000, s3  }
0xa: {  	[smem:$0x7FF] =	sst s4;
	s10 =	sand.u32 $0x1, s6;
	s8 =	smul.u32 $0x2800, s3  }
0xb: {  	s13 =	sadd.s32 $0x3C00, s5;
	s31 =	sshll.u32 s3, $0x6;
	s17 =	smul.u32 $0xA00, s3  }
0xc: {  	_ =	strace $0x8000004A;
	s6 =	sshll.u32 s10, $0x4;
	s9 =	ssub.s32 $0x2, s10  }
0xd: {  	p0 =	seq.s32 s10, $0x1;
	s16 =	smul.u32 $0xA000, s10;
	s6 =	sor.u32 s3, s6  }
0xe: {  	s11 =	sshrl.u32 s9, $0x1;
	s7 =	sshrl.u32 s7, $0x2;
	s12 =	sadd.s32 s8, s5  }
0xf: {  	s15 =	simm.s32 @!p0 $0x3FC00;
	s6 =	smul.u32 $0xA00, s6;
	s11 =	ssub.s32 s9, s11  }
0x10: {  	s14 =	sadd.s32 s7, s2;
	s5 =	sadd.s32 $0x17C00, s12;
	s7 =	sor.u32 $0x1C07, s31  }
0x11: {  	s12 =	sadd.s32 s15, s12;
	s15 =	simm.s32 $0x7;
	s11 =	smax.u32 s11, $0x1  }
0x12: {  	s14 =	sshrl.u32 s14, $0x3;
	s6 =	sadd.s32 s13, s6;
	s13 =	sadd.s32 s16, s13  }
0x13: {  	s16 =	simm.s32 $0x100;
	s8 =	sadd.s32 $0x10, s6;
	s9 =	sadd.s32 $0x20, s6  }
0x14: {  	s10 =	sadd.s32 $0x30, s6;
	s13 =	sadd.s32 s17, s13;
	s17 =	simm.s32 $0x80  }
.LBB2_1:
0x15: {  	[spmem:s14], [sflag:s7] =	dma.local [hbm:s5], $0x2800  }
0x16: {  	_ =	swait.ge [sflag:s15], $0x2800  }
0x17: {  	[sflag:s15] =	ssyncset.done $0x0  }
0x18: {  	[sflag:s15] =	ssyncadd.s32 $0xFFFFD800  }
0x19: {  	[tilespmem:s4], [sflag:$0x7] =	stream.linear.gather [hbm4b:s6+s4], $0x80, $0x38;
	[tilespmem:$0x1C200] =	vst v63  }
0x1a: {  	_ =	swait.ge [sflag:s15], $0x80  }
0x1b: {  	[sflag:s15] =	ssyncset.done $0x0  }
0x1c: {  	[sflag:s15] =	ssyncadd.s32 $0xFFFFFF80  }
0x1d: {  	[tilespmem:s16], [sflag:$0x7] =	stream.linear.gather [hbm4b:s8+s4], $0x80, $0x38;
	[tilespmem:$0x1C200] =	vst v63  }
0x1e: {  	_ =	swait.ge [sflag:s15], $0x80  }
0x1f: {  	[sflag:s15] =	ssyncset.done $0x0  }
0x20: {  	[sflag:s15] =	ssyncadd.s32 $0xFFFFFF80  }
0x21: {  	[tilespmem:s17], [sflag:$0x4] =	stream.linear.gather [hbm4b:s9+s4], $0x80, $0x38;
	[tilespmem:$0x1C200] =	vst v63  }
0x22: {  	_ = 	snop  }
0x23: {  	[tilespmem:s18], [sflag:$0x6] =	stream.linear.gather [hbm4b:s10+s4], $0x80, $0x38;
	[tilespmem:$0x1C200] =	vst v63  }
0x24: {  	[bflag:$0x0] =	sbarrier.arrive $0xFFFF  }
0x25: {  	[tilespmem:s19], [sflag:$0x1] =	stream.indirect.gather [hbm4b:s1+s17], $0x80, s4, s17, $0xb8;
	[tilespmem:$0x1C200] =	vst v63  }
0x26: {  	_ =	swait.ge [sflag:s20], $0x4000  }
0x27: {  	[sflag:s20] =	ssyncset.done $0x0  }
0x28: {  	[sflag:s20] =	ssyncadd.s32 $0xFFFFC000  }
0x29: {  	_ =	swait.ge [sflag:s21], $0x80  }
0x2a: {  	[sflag:s21] =	ssyncset.done $0x0  }
0x2b: {  	[sflag:s21] =	ssyncadd.s32 $0xFFFFFF80  }
0x2c: {  	_ =	swait.ge [sflag:s22], $0x80  }
0x2d: {  	[sflag:s22] =	ssyncset.done $0x0  }
0x2e: {  	[sflag:s22] =	ssyncadd.s32 $0xFFFFFF80  }
0x2f: {  	[tilespmem:s23], [sflag:$0x2] =	stream.indirect.gather [hbm4b:s1+s17], $0x80, s17, s17, $0xb8;
	[tilespmem:$0x1C200] =	vst v63  }
0x30: {  	_ = 	snop  }
0x31: {  	[spmem:s2] =	stream.indirect.scatter.add.f32 [tilespmem:s19], [sflag:$0x7], $0x80, s16, s17, $0xb8;
	[tilespmem:$0x1C200] =	vst v63  }
0x32: {  	_ =	swait.ge [sflag:s15], $0x4000  }
0x33: {  	s30 =	sadd.s32 $0x0, s13;
	[sflag:s15] =	ssyncset.done $0x0  }
0x34: {  	s29 =	sadd.s32 $0x40, s30;
	[sflag:s15] =	ssyncadd.s32 $0xFFFFC000  }
0x35: {  	[tilespmem:s4], [sflag:$0x3] =	stream.linear.gather [hbm4b:s29+s4], $0x80, $0x38;
	[tilespmem:$0x1C200] =	vst v63  }
0x36: {  	s29 =	sadd.s32 $0x50, s30  }
0x37: {  	[tilespmem:s16], [sflag:$0x5] =	stream.linear.gather [hbm4b:s29+s4], $0x80, $0x38;
	[tilespmem:$0x1C200] =	vst v63  }
0x38: {  	_ =	swait.ge [sflag:s24], $0x4000  }
0x39: {  	[sflag:s24] =	ssyncset.done $0x0  }
0x3a: {  	[sflag:s24] =	ssyncadd.s32 $0xFFFFC000  }
0x3b: {  	_ =	swait.ge [sflag:s25], $0x80  }
0x3c: {  	[sflag:s25] =	ssyncset.done $0x0  }
0x3d: {  	[sflag:s25] =	ssyncadd.s32 $0xFFFFFF80  }
0x3e: {  	_ =	swait.ge [sflag:s26], $0x80  }
0x3f: {  	[sflag:s26] =	ssyncset.done $0x0  }
0x40: {  	[sflag:s26] =	ssyncadd.s32 $0xFFFFFF80  }
0x41: {  	[tilespmem:s19], [sflag:$0x1] =	stream.indirect.gather [hbm4b:s1+s17], $0x80, s4, s17, $0xb8;
	[tilespmem:$0x1C200] =	vst v63  }
0x42: {  	_ = 	snop  }
0x43: {  	[spmem:s2] =	stream.indirect.scatter.add.f32 [tilespmem:s23], [sflag:$0x7], $0x80, s18, s17, $0xb8;
	[tilespmem:$0x1C200] =	vst v63  }
0x44: {  	_ =	swait.ge [sflag:s15], $0x4000  }
0x45: {  	[sflag:s15] =	ssyncset.done $0x0  }
0x46: {  	s29 =	sadd.s32 $0x60, s30;
	[sflag:s15] =	ssyncadd.s32 $0xFFFFC000  }
0x47: {  	[tilespmem:s17], [sflag:$0x4] =	stream.linear.gather [hbm4b:s29+s4], $0x80, $0x38;
	[tilespmem:$0x1C200] =	vst v63  }
0x48: {  	s30 =	sadd.s32 $0x70, s30;
	s29 =	simm.s32 $0x40  }
.LBB2_2:
0x49: {  	[tilespmem:s18], [sflag:$0x6] =	stream.linear.gather [hbm4b:s30+s4], $0x80, $0x38;
	[tilespmem:$0x1C200] =	vst v63  }
0x4a: {  	s30 =	smov.u32 s29  }
0x4b: {  	p0 =	sne.s32 s29, $0x980;
	s29 =	sadd.s32 $0x40, s29;
	_ =	swait.ge [sflag:s20], $0x4000  }
0x4c: {  	[sflag:s20] =	ssyncset.done $0x0  }
0x4d: {  	[sflag:s20] =	ssyncadd.s32 $0xFFFFC000  }
0x4e: {  	_ =	swait.ge [sflag:s21], $0x80  }
0x4f: {  	[sflag:s21] =	ssyncset.done $0x0  }
0x50: {  	[sflag:s21] =	ssyncadd.s32 $0xFFFFFF80  }
0x51: {  	_ =	swait.ge [sflag:s22], $0x80  }
0x52: {  	[sflag:s22] =	ssyncset.done $0x0  }
0x53: {  	[sflag:s22] =	ssyncadd.s32 $0xFFFFFF80  }
0x54: {  	[tilespmem:s23], [sflag:$0x2] =	stream.indirect.gather [hbm4b:s1+s17], $0x80, s17, s17, $0xb8;
	[tilespmem:$0x1C200] =	vst v63  }
0x55: {  	_ = 	snop  }
0x56: {  	[spmem:s2] =	stream.indirect.scatter.add.f32 [tilespmem:s19], [sflag:$0x7], $0x80, s16, s17, $0xb8;
	[tilespmem:$0x1C200] =	vst v63  }
0x57: {  	_ =	swait.ge [sflag:s15], $0x4000  }
0x58: {  	s30 =	sadd.s32 s30, s13;
	[sflag:s15] =	ssyncset.done $0x0  }
0x59: {  	s31 =	sadd.s32 $0x40, s30;
	[sflag:s15] =	ssyncadd.s32 $0xFFFFC000  }
0x5a: {  	[tilespmem:s4], [sflag:$0x3] =	stream.linear.gather [hbm4b:s31+s4], $0x80, $0x38;
	[tilespmem:$0x1C200] =	vst v63  }
0x5b: {  	s31 =	sadd.s32 $0x50, s30  }
0x5c: {  	[tilespmem:s16], [sflag:$0x5] =	stream.linear.gather [hbm4b:s31+s4], $0x80, $0x38;
	[tilespmem:$0x1C200] =	vst v63  }
0x5d: {  	_ =	swait.ge [sflag:s24], $0x4000  }
0x5e: {  	[sflag:s24] =	ssyncset.done $0x0  }
0x5f: {  	[sflag:s24] =	ssyncadd.s32 $0xFFFFC000  }
0x60: {  	_ =	swait.ge [sflag:s25], $0x80  }
0x61: {  	[sflag:s25] =	ssyncset.done $0x0  }
0x62: {  	[sflag:s25] =	ssyncadd.s32 $0xFFFFFF80  }
0x63: {  	_ =	swait.ge [sflag:s26], $0x80  }
0x64: {  	[sflag:s26] =	ssyncset.done $0x0  }
0x65: {  	[sflag:s26] =	ssyncadd.s32 $0xFFFFFF80  }
0x66: {  	[tilespmem:s19], [sflag:$0x1] =	stream.indirect.gather [hbm4b:s1+s17], $0x80, s4, s17, $0xb8;
	[tilespmem:$0x1C200] =	vst v63  }
0x67: {  	_ = 	snop  }
0x68: {  	[spmem:s2] =	stream.indirect.scatter.add.f32 [tilespmem:s23], [sflag:$0x7], $0x80, s18, s17, $0xb8;
	[tilespmem:$0x1C200] =	vst v63  }
.Ltmp0:
0x69: {  	_ =	swait.ge [sflag:s15], $0x4000;
	(pc) =	sbr.rel @p0 .LBB2_2-.Ltmp0, $4  }
0x6a: {  	[sflag:s15] =	ssyncset.done $0x0  }
0x6b: {  	s31 =	sadd.s32 $0x60, s30;
	[sflag:s15] =	ssyncadd.s32 $0xFFFFC000  }
0x6c: {  	[tilespmem:s17], [sflag:$0x4] =	stream.linear.gather [hbm4b:s31+s4], $0x80, $0x38;
	[tilespmem:$0x1C200] =	vst v63  }
0x6d: {  	s30 =	sadd.s32 $0x70, s30  }
0x6e: {  	[tilespmem:s18], [sflag:$0x6] =	stream.linear.gather [hbm4b:s30+s4], $0x80, $0x38;
	[tilespmem:$0x1C200] =	vst v63  }
0x6f: {  	_ =	swait.ge [sflag:s20], $0x4000  }
0x70: {  	[sflag:s20] =	ssyncset.done $0x0  }
0x71: {  	[sflag:s20] =	ssyncadd.s32 $0xFFFFC000  }
0x72: {  	_ =	swait.ge [sflag:s21], $0x80  }
0x73: {  	[sflag:s21] =	ssyncset.done $0x0  }
0x74: {  	[sflag:s21] =	ssyncadd.s32 $0xFFFFFF80  }
0x75: {  	_ =	swait.ge [sflag:s22], $0x80  }
0x76: {  	[sflag:s22] =	ssyncset.done $0x0  }
0x77: {  	[sflag:s22] =	ssyncadd.s32 $0xFFFFFF80  }
0x78: {  	[tilespmem:s23], [sflag:$0x2] =	stream.indirect.gather [hbm4b:s1+s17], $0x80, s17, s17, $0xb8;
	[tilespmem:$0x1C200] =	vst v63  }
0x79: {  	_ = 	snop  }
0x7a: {  	[spmem:s2] =	stream.indirect.scatter.add.f32 [tilespmem:s19], [sflag:$0x7], $0x80, s16, s17, $0xb8;
	[tilespmem:$0x1C200] =	vst v63  }
0x7b: {  	_ =	swait.ge [sflag:s15], $0x4000  }
0x7c: {  	[sflag:s15] =	ssyncset.done $0x0  }
0x7d: {  	[sflag:s15] =	ssyncadd.s32 $0xFFFFC000  }
0x7e: {  	_ =	swait.ge [sflag:s24], $0x4000  }
0x7f: {  	[sflag:s24] =	ssyncset.done $0x0  }
0x80: {  	[sflag:s24] =	ssyncadd.s32 $0xFFFFC000  }
0x81: {  	[spmem:s2] =	stream.indirect.scatter.add.f32 [tilespmem:s23], [sflag:$0x7], $0x80, s18, s17, $0xb8;
	[tilespmem:$0x1C200] =	vst v63  }
0x82: {  	_ =	swait.ge [sflag:s15], $0x4000  }
0x83: {  	[sflag:s15] =	ssyncset.done $0x0  }
0x84: {  	[sflag:s15] =	ssyncadd.s32 $0xFFFFC000  }
0x85: {  	[bflag:$0x0] =	sbarrier.arrive $0xFFFF  }
0x86: {  	[tilespmem:s4], [sflag:$0x7] =	stream.linear.gather [hbm4b:s6+s4], $0x80, $0x38;
	[tilespmem:$0x1C200] =	vst v63  }
0x87: {  	_ =	swait.ge [sflag:s15], $0x80  }
0x88: {  	s28 =	sadd.s32 $0x1, s28;
	[sflag:s15] =	ssyncset.done $0x0  }
0x89: {  	p0 =	sne.s32 s28, s11;
	[sflag:s15] =	ssyncadd.s32 $0xFFFFFF80  }
.Ltmp1:
0x8a: {  	[bflag:$0x0] =	sbarrier.arrive $0xFFFF;
	(pc) =	sbr.rel @p0 .LBB2_1-.Ltmp1, $4  }
0x8b: {  	[hbm:s12], [sflag:s7] =	dma.local [spmem:s14], $0x2800  }
0x8c: {  	_ =	swait.ge [sflag:s15], $0x2800  }
0x8d: {  	[sflag:s15] =	ssyncset.done $0x0  }
0x8e: {  	[sflag:s15] =	ssyncadd.s32 $0xFFFFD800  }
0x8f: {  	_ =	sfence.sel $0x180000  }
0x90: {  	[bflag:$0x0] =	sbarrier.arrive $0xFFFF  }
0x91: {  	p0 =	sne.s32 s3, $0x0;
	_ =	strace $0x9000004A  }
0x92: {  	s0 =	sadd.s32 @!p0 $0x100000, s0;
	[bflag:$0x2] =	sbarrier.arrive $0xFFFF  }
0x93: {  	[sflag:s0] =	ssyncadd.tile.s32 @!p0 $0x1;
	_ =	shalt  }
.Lfunc_end2:
_tile_overlayer_lowered:
.L_overlay_start_2:
0x94: {  	(tag) =	ssettag $0x2  }
0x95: {  	s0 =	rddreg [dreg:$0x0];
	s2 =	stileid.u32  }
0x96: {  	s1 =	rddreg [dreg:$0x1];
	p0 =	sne.s32 s2, $0x0  }
0x97: {  	s3 =	rddreg [dreg:$0x2];
	[bflag:$0x3] =	sbarrier.arrive $0xFFFF;
	s2 =	simm.s32 @!p0 $0x1C07  }
0x98: {  	[timem:s3], [sflag:s2] =	dma.local @!p0 [hbm:s0], s1  }
0x99: {  	s0 =	simm.s32 @!p0 $0x7  }
0x9a: {  	_ =	swait.ge @!p0 [sflag:s0], s1  }
0x9b: {  	s1 =	ssub.s32 @!p0 $0x0, s1;
	[sflag:s0] =	ssyncset.done @!p0 $0x0  }
0x9c: {  	[sflag:s0] =	ssyncadd.s32 @!p0 s1  }
0x9d: {  	[bflag:$0x3] =	sbarrier.arrive $0xFFFF  }
0x9e: {  	_ =	shalt  }

// kernel: kernel.14.cloned.1.call-start
scs
__scs_entry_jumppad:
0x0: {  	(pc) =	sbr.rel $0x88, $3  }
0x1: {  	(tag) =	ssettag $0x0;
	lr =	simm.s32 $0x1  }
0x2: {  	[smem:$0x3F9B] =	sst lr;
	_ =	strace $0xD0000000  }
0x3: {  	_ = 	snop  }
0x4: {  	_ = 	snop  }
0x5: {  	_ = 	snop  }
0x6: {  	_ = 	snop  }
0x7: {  	_ = 	snop  }
__scs_overlays_trampoline_lowered:
0x8: {  	[smem:$0x3FAA] =	sst s0  }
0x9: {  	[smem:$0x3FAB] =	sst s1  }
0xa: {  	[smem:$0x3FAC] =	sst s2  }
0xb: {  	[smem:$0x3FAD] =	sst s3  }
0xc: {  	[smem:$0x3FAE] =	sst s4  }
0xd: {  	[smem:$0x3FAF] =	sst s5  }
0xe: {  	[smem:$0x3FB0] =	sst s6  }
0xf: {  	[smem:$0x3FB1] =	sst s7  }
0x10: {  	[smem:$0x3FB2] =	sst s8  }
0x11: {  	[smem:$0x3FB3] =	sst s9;
	s0 =	simm.s32 @!p0 $0x0  }
0x12: {  	s1 =	sld [smem:$0x3F99];
	s0 =	simm.s32 @p0 $0x1  }
0x13: {  	[smem:$0x3FB4] =	sst s0;
	s0 =	simm.s32 @!p1 $0x0  }
0x14: {  	s2 =	sld [smem:$0x3F98];
	s0 =	simm.s32 @p1 $0x1  }
0x15: {  	[smem:$0x3FB5] =	sst s0;
	s0 =	simm.s32 @!p2 $0x0  }
0x16: {  	s3 =	sld [smem:$0x3FDB];
	s0 =	simm.s32 @p2 $0x1  }
0x17: {  	s4 =	simm.s32 $0x1BF5;
	[smem:$0x3FB7] =	sst s0  }
0x18: {  	s0 =	sld [smem:$0x3F9A];
	_ =	swait.ge [sflag:s4], $0x0  }
0x19: {  	s7 =	sld [smem:$0x3F9B]  }
0x1a: {  	s8 =	sadd.s32 $0xFFFFE003, lr  }
0x1b: {  	s9 =	sadd.s32 $0xFFFFFEF7, lr;
	s5 =	simm.s32 $0xFFFFFFFF;
	p2 =	slt.u32 s8, $0xFFFFF086  }
0x1c: {  	p1 =	slt.u32 s9, $0xF7A;
	s5 =	simm.s32 @!p2 $0x0  }
0x1d: {  	s5 =	simm.s32 @p1 $0x1;
	p0 =	seq.s32 s7, s2  }
0x1e: {  	s7 =	smul.u32 @!p0 $0xF7A, s2;
	p2 =	seq.s32 @!p0 s5, $0x0  }
0x1f: {  	s9 =	smul.u32 $0xF7A, s1;
	s8 =	simm.s32 @!p0 $0x1BF5;
	p2 =	por !p2, p0  }
0x20: {  	[sflag:s8] =	ssyncset.s32 @!p0 $0xFFFFF086;
	s6 =	sadd.s32 @!p0 s3, s7;
	s7 =	simm.s32 @!p0 $0x108  }
0x21: {  	s3 =	sadd.s32 s3, s9;
	s6 =	sadd.s32 @!p0 $0x88, s6;
	s7 =	simm.s32 @p2 $0x1082  }
0x22: {  	[simem:s7], [sflag:s8] =	dma.local @!p0 [hbm:s6], $0xF7A  }
0x23: {  	s9 =	sor.u32 $0xD0000000, s2;
	s6 =	simm.s32 $0x108;
	_ =	swait.ge @!p0 [sflag:s8], $0x0  }
0x24: {  	s3 =	sadd.s32 $0x88, s3;
	s6 =	simm.s32 @!p1 $0x1082;
	[sflag:s4] =	ssyncset.s32 $0xFFFFF086  }
0x25: {  	[simem:s6], [sflag:s4] =	dma.local [hbm:s3], $0xF7A  }
0x26: {  	[smem:$0x3F9B] =	sst s1;
	(tag) =	ssettag s2;
	_ =	strace s9  }
0x27: {  	s1 =	sld [smem:$0x3FAB]  }
0x28: {  	s2 =	sld [smem:$0x3FAC]  }
0x29: {  	s4 =	sld [smem:$0x3FAE]  }
0x2a: {  	p0 =	seq.s32 s5, $0x0;
	s5 =	sld [smem:$0x3FAF]  }
0x2b: {  	s6 =	sld [smem:$0x3FB0]  }
0x2c: {  	s7 =	sld [smem:$0x3FB1]  }
0x2d: {  	s3 =	simm.s32 $0x108;
	s8 =	sld [smem:$0x3FB2]  }
0x2e: {  	s3 =	simm.s32 @!p0 $0x1082;
	s9 =	sld [smem:$0x3FB3]  }
0x2f: {  	lr =	sadd.s32 s0, s3;
	s0 =	sld [smem:$0x3FAA]  }
0x30: {  	s3 =	sld [smem:$0x3FAD]  }
0x31: {  	[smem:$0x3FB6] =	sst s10  }
0x32: {  	s10 =	sld [smem:$0x3FB4];
	_ =	sdelay $0x3  }
0x33: {  	p0 =	seq.s32 s10, $0x1;
	s10 =	sld [smem:$0x3FB6];
	_ =	sdelay $0x3  }
0x34: {  	[smem:$0x3FB6] =	sst s10  }
0x35: {  	s10 =	sld [smem:$0x3FB5];
	_ =	sdelay $0x3  }
0x36: {  	p1 =	seq.s32 s10, $0x1;
	s10 =	sld [smem:$0x3FB6];
	_ =	sdelay $0x3  }
0x37: {  	[smem:$0x3FB6] =	sst s10  }
0x38: {  	s10 =	sld [smem:$0x3FB7]  }
0x39: {  	_ = 	snop;
	(pc) =	sbr.ind lr, $3  }
0x3a: {  	_ = 	snop  }
0x3b: {  	_ = 	snop  }
0x3c: {  	p2 =	seq.s32 s10, $0x1;
	s10 =	sld [smem:$0x3FB6]  }
0x3d: {  	_ =	shalt  }
0x3e: {  	_ =	shalt  }
0x3f: {  	_ =	shalt  }
0x40: {  	_ =	shalt  }
0x41: {  	_ =	shalt  }
0x42: {  	_ =	shalt  }
0x43: {  	_ =	shalt  }
0x44: {  	_ =	shalt  }
0x45: {  	_ =	shalt  }
0x46: {  	_ =	shalt  }
0x47: {  	_ =	shalt  }
0x48: {  	_ =	shalt  }
0x49: {  	_ =	shalt  }
0x4a: {  	_ =	shalt  }
0x4b: {  	_ =	shalt  }
0x4c: {  	_ =	shalt  }
0x4d: {  	_ =	shalt  }
0x4e: {  	_ =	shalt  }
0x4f: {  	_ =	shalt  }
0x50: {  	_ =	shalt  }
0x51: {  	_ =	shalt  }
0x52: {  	_ =	shalt  }
0x53: {  	_ =	shalt  }
0x54: {  	_ =	shalt  }
0x55: {  	_ =	shalt  }
0x56: {  	_ =	shalt  }
0x57: {  	_ =	shalt  }
0x58: {  	_ =	shalt  }
0x59: {  	_ =	shalt  }
0x5a: {  	_ =	shalt  }
0x5b: {  	_ =	shalt  }
0x5c: {  	_ =	shalt  }
0x5d: {  	_ =	shalt  }
0x5e: {  	_ =	shalt  }
0x5f: {  	_ =	shalt  }
0x60: {  	_ =	shalt  }
0x61: {  	_ =	shalt  }
0x62: {  	_ =	shalt  }
0x63: {  	_ =	shalt  }
0x64: {  	_ =	shalt  }
0x65: {  	_ =	shalt  }
0x66: {  	_ =	shalt  }
0x67: {  	_ =	shalt  }
0x68: {  	_ =	shalt  }
0x69: {  	_ =	shalt  }
0x6a: {  	_ =	shalt  }
0x6b: {  	_ =	shalt  }
0x6c: {  	_ =	shalt  }
0x6d: {  	_ =	shalt  }
0x6e: {  	_ =	shalt  }
0x6f: {  	_ =	shalt  }
0x70: {  	_ =	shalt  }
0x71: {  	_ =	shalt  }
0x72: {  	_ =	shalt  }
0x73: {  	_ =	shalt  }
0x74: {  	_ =	shalt  }
0x75: {  	_ =	shalt  }
0x76: {  	_ =	shalt  }
0x77: {  	_ =	shalt  }
0x78: {  	_ =	shalt  }
0x79: {  	_ =	shalt  }
0x7a: {  	_ =	shalt  }
0x7b: {  	_ =	shalt  }
0x7c: {  	_ =	shalt  }
0x7d: {  	_ =	shalt  }
0x7e: {  	_ =	shalt  }
0x7f: {  	_ =	shalt  }
0x80: {  	_ =	shalt  }
0x81: {  	_ =	shalt  }
0x82: {  	_ =	shalt  }
0x83: {  	_ =	shalt  }
0x84: {  	_ =	shalt  }
0x85: {  	_ =	shalt  }
0x86: {  	_ =	shalt  }
0x87: {  	_ =	shalt  }
.Lfunc_end0:
.L_simem_size_0:
called_computation.2_lowered:
.L_overlay_start_0:
0x88: {  	s2 =	sld [smem:$0x3FD9]  }
0x89: {  	s3 =	sld [smem:$0x3FFE];
	_ =	sdelay $0x1  }
0x8a: {  	s1 =	srdreg.scid  }
0x8b: {  	s0 =	sand.u32 $0x1, s1  }
0x8c: {  	s17 =	sshll.u32 s0, $0xA;
	s2 =	sadd.s32 s3, s2  }
0x8d: {  	s2 =	sadd.s32 s2, s17  }
0x8e: {  	[smem:$0x3FC2] =	sst s2  }
0x8f: {  	_ = 	snop  }
0x90: {  	s2 =	sld [smem:$0x3FD0];
	(tm) =	ssettm $0x1  }
0x91: {  	s18 =	sld [smem:$0x3FFB];
	_ =	sdelay $0x3  }
0x92: {  	_ =	strace s18  }
0x93: {  	s3 =	sld [smem:$0x3FFC];
	_ =	sdelay $0x3  }
0x94: {  	_ =	strace s3  }
0x95: {  	s3 =	sld [smem:$0x3FFD];
	_ =	sdelay $0x3  }
0x96: {  	_ =	strace s3  }
0x97: {  	_ =	strace $0x8FFFFFFF  }
0x98: {  	s19 =	sld [smem:$0x3FDB];
	_ =	sdelay $0x1  }
0x99: {  	s4 =	simm.s32 $_scs_section_size  }
0x9a: {  	s5 =	simm.s32 $_size__tile_overlayer_lowered;
	s6 =	simm.s32 $_tile_overlayer_lowered  }
0x9b: {  	s22 =	simm.s32 $0x1BFF;
	s21 =	sshll.u32 s6, $0x1;
	s3 =	sadd.s32 s4, s19  }
0x9c: {  	s7 =	simm.s32 $0x0;
	s20 =	sshll.u32 s5, $0x1;
	s5 =	sadd.s32 s21, s3  }
0x9d: {  	[timem:s7], [sflag:s22] =	dma.local [hbm:s5], s20  }
0x9e: {  	_ =	swait.ge [sflag:s22], s20  }
0x9f: {  	s4 =	ssub.s32 $0x0, s20;
	[sflag:s22] =	ssyncset.done $0x0  }
0xa0: {  	[sflag:s22] =	ssyncadd.s32 s4;
	_ =	sdelay $0x1  }
0xa1: {  	s23 =	simm.s32 $0x1B8B  }
0xa2: {  	_ =	swait.ge [sflag:s23], $0x1  }
0xa3: {  	[sflag:s23] =	ssyncset.done $0x0  }
0xa4: {  	s25 =	simm.s32 $0x1B8E;
	s24 =	sld [smem:$0x3FFE];
	[sflag:s23] =	ssyncadd.s32 $0xFFFFFFFF  }
0xa5: {  	s26 =	simm.s32 $execute0_lowered;
	[smem:$0x3FD2] =	sst s25  }
0xa6: {  	s5 =	sshll.u32 s26, $0x1;
	_ =	strace $0x8000004C;
	[dreg:$0x1] =	wrdreg $0xFFFFFFFF  }
0xa7: {  	s28 =	simm.s32 $_size_execute0_lowered;
	s3 =	sadd.s32 s3, s5;
	[dreg:$0x0] =	wrdreg $0x0  }
0xa8: {  	s5 =	sshll.u32 s28, $0x1;
	[dreg:$0x2] =	wrdreg s3  }
0xa9: {  	[dreg:$0x3] =	wrdreg s5  }
0xaa: {  	[dreg:$0x4] =	wrdreg $0xC0  }
0xab: {  	_ =	task [dreg:s7], $0x5FFFF  }
0xac: {  	[dreg:$0x1] =	wrdreg $0xFFFFFFFF  }
0xad: {  	[dreg:$0x0] =	wrdreg $0x60  }
0xae: {  	[dreg:$0x2] =	wrdreg s2  }
0xaf: {  	[dreg:$0x3] =	wrdreg s24  }
0xb0: {  	[dreg:$0x4] =	wrdreg $0x82000  }
0xb1: {  	[dreg:$0x5] =	wrdreg $0x9  }
0xb2: {  	_ =	task.clear_ibuf [dreg:s7], $0x6FFFF;
	_ =	strace $0x9000004C  }
0xb3: {  	s29 =	simm.s32 $0x9;
	_ =	strace $0x8000004E  }
0xb4: {  	_ =	swait.ge [sflag:s29], $0x1  }
0xb5: {  	[sflag:s29] =	ssyncadd.s32 $0xFFFFFFFF  }
0xb6: {  	_ =	strace $0x9000004E  }
0xb7: {  	_ =	sfence  }
0xb8: {  	s30 =	sld [smem:$0x0];
	_ =	sdelay $0x2  }
0xb9: {  	s31 =	sshll.u32 s1, $0xD;
	s1 =	sshrl.u32 s1, $0x2  }
0xba: {  	s3 =	sand.u32 $0x4000, s31;
	s1 =	sadd.s32 s1, s30  }
0xbb: {  	s0 =	sor.u32 s3, s0;
	s1 =	sshll.u32 s1, $0x11  }
0xbc: {  	s0 =	sor.u32 s1, s0  }
0xbd: {  	s0 =	sadd.s32 $0x8F2B, s0  }
0xbe: {  	[sflag:s0] =	ssyncadd.remote.s32 $0x1  }
0xbf: {  	_ =	sfence.sel $0xFFFF  }
0xc0: {  	[dreg:$0x0] =	wrdreg $0xFFFFFFFF;
	(pc) =	sbr.abs _section_cstart, $3  }
0xc1: {  	[dreg:$0x1] =	wrdreg $0xFFFFFFFF  }
0xc2: {  	_ =	task.clear_ibuf [dreg:s7], $0x2FFFF;
	_ =	strace $0x9FFFFFFF  }
0xc3: {  	(tm) =	ssettm $0x7FFFFFFF  }
tec
execute0_lowered:
.L_overlay_start_1:
0x0: {  	(tag) =	ssettag $0x1  }
0x1: {  	s1 =	rddreg [dreg:$0x0]  }
0x2: {  	s5 =	rddreg [dreg:$0x1]  }
0x3: {  	s2 =	rddreg [dreg:$0x2]  }
0x4: {  	s0 =	rddreg [dreg:$0x3]  }
0x5: {  	s4 =	simm.s32 $0x0;
	s6 =	srdreg.scid;
	s3 =	stileid.u32  }
0x6: {  	s15 =	simm.s32 $0x67C00;
	s18 =	simm.s32 $0x180;
	s19 =	simm.s32 $0x200  }
0x7: {  	s20 =	simm.s32 $0x1;
	s21 =	simm.s32 $0x4;
	s22 =	simm.s32 $0x6  }
0x8: {  	s23 =	simm.s32 $0x4200;
	s24 =	simm.s32 $0x2;
	s25 =	simm.s32 $0x3  }
0x9: {  	s26 =	simm.s32 $0x5;
	s28 =	simm.s32 $0x0;
	s7 =	smul.u32 $0x50000, s3  }
0xa: {  	[smem:$0x7FF] =	sst s4;
	s10 =	sand.u32 $0x1, s6;
	s8 =	smul.u32 $0x2800, s3  }
0xb: {  	s13 =	sadd.s32 $0x3C00, s5;
	s31 =	sshll.u32 s3, $0x6;
	s17 =	smul.u32 $0xA00, s3  }
0xc: {  	_ =	strace $0x8000004D;
	s6 =	sshll.u32 s10, $0x4;
	s9 =	ssub.s32 $0x2, s10  }
0xd: {  	p0 =	seq.s32 s10, $0x1;
	s16 =	smul.u32 $0xA000, s10;
	s6 =	sor.u32 s3, s6  }
0xe: {  	s11 =	sshrl.u32 s9, $0x1;
	s7 =	sshrl.u32 s7, $0x2;
	s12 =	sadd.s32 s8, s5  }
0xf: {  	s15 =	simm.s32 @!p0 $0x3FC00;
	s6 =	smul.u32 $0xA00, s6;
	s11 =	ssub.s32 s9, s11  }
0x10: {  	s14 =	sadd.s32 s7, s2;
	s5 =	sadd.s32 $0x17C00, s12;
	s7 =	sor.u32 $0x1C07, s31  }
0x11: {  	s12 =	sadd.s32 s15, s12;
	s15 =	simm.s32 $0x7;
	s11 =	smax.u32 s11, $0x1  }
0x12: {  	s14 =	sshrl.u32 s14, $0x3;
	s6 =	sadd.s32 s13, s6;
	s13 =	sadd.s32 s16, s13  }
0x13: {  	s16 =	simm.s32 $0x100;
	s8 =	sadd.s32 $0x10, s6;
	s9 =	sadd.s32 $0x20, s6  }
0x14: {  	s10 =	sadd.s32 $0x30, s6;
	s13 =	sadd.s32 s17, s13;
	s17 =	simm.s32 $0x80  }
.LBB2_1:
0x15: {  	[spmem:s14], [sflag:s7] =	dma.local [hbm:s5], $0x2800  }
0x16: {  	_ =	swait.ge [sflag:s15], $0x2800  }
0x17: {  	[sflag:s15] =	ssyncset.done $0x0  }
0x18: {  	[sflag:s15] =	ssyncadd.s32 $0xFFFFD800  }
0x19: {  	[tilespmem:s4], [sflag:$0x7] =	stream.linear.gather [hbm4b:s6+s4], $0x80, $0x38;
	[tilespmem:$0x1C200] =	vst v63  }
0x1a: {  	_ =	swait.ge [sflag:s15], $0x80  }
0x1b: {  	[sflag:s15] =	ssyncset.done $0x0  }
0x1c: {  	[sflag:s15] =	ssyncadd.s32 $0xFFFFFF80  }
0x1d: {  	[tilespmem:s16], [sflag:$0x7] =	stream.linear.gather [hbm4b:s8+s4], $0x80, $0x38;
	[tilespmem:$0x1C200] =	vst v63  }
0x1e: {  	_ =	swait.ge [sflag:s15], $0x80  }
0x1f: {  	[sflag:s15] =	ssyncset.done $0x0  }
0x20: {  	[sflag:s15] =	ssyncadd.s32 $0xFFFFFF80  }
0x21: {  	[tilespmem:s17], [sflag:$0x4] =	stream.linear.gather [hbm4b:s9+s4], $0x80, $0x38;
	[tilespmem:$0x1C200] =	vst v63  }
0x22: {  	_ = 	snop  }
0x23: {  	[tilespmem:s18], [sflag:$0x6] =	stream.linear.gather [hbm4b:s10+s4], $0x80, $0x38;
	[tilespmem:$0x1C200] =	vst v63  }
0x24: {  	[bflag:$0x0] =	sbarrier.arrive $0xFFFF  }
0x25: {  	[tilespmem:s19], [sflag:$0x1] =	stream.indirect.gather [hbm4b:s1+s17], $0x80, s4, s17, $0xb8;
	[tilespmem:$0x1C200] =	vst v63  }
0x26: {  	_ =	swait.ge [sflag:s20], $0x4000  }
0x27: {  	[sflag:s20] =	ssyncset.done $0x0  }
0x28: {  	[sflag:s20] =	ssyncadd.s32 $0xFFFFC000  }
0x29: {  	_ =	swait.ge [sflag:s21], $0x80  }
0x2a: {  	[sflag:s21] =	ssyncset.done $0x0  }
0x2b: {  	[sflag:s21] =	ssyncadd.s32 $0xFFFFFF80  }
0x2c: {  	_ =	swait.ge [sflag:s22], $0x80  }
0x2d: {  	[sflag:s22] =	ssyncset.done $0x0  }
0x2e: {  	[sflag:s22] =	ssyncadd.s32 $0xFFFFFF80  }
0x2f: {  	[tilespmem:s23], [sflag:$0x2] =	stream.indirect.gather [hbm4b:s1+s17], $0x80, s17, s17, $0xb8;
	[tilespmem:$0x1C200] =	vst v63  }
0x30: {  	_ = 	snop  }
0x31: {  	[spmem:s2] =	stream.indirect.scatter.add.f32 [tilespmem:s19], [sflag:$0x7], $0x80, s16, s17, $0xb8;
	[tilespmem:$0x1C200] =	vst v63  }
0x32: {  	_ =	swait.ge [sflag:s15], $0x4000  }
0x33: {  	s30 =	sadd.s32 $0x0, s13;
	[sflag:s15] =	ssyncset.done $0x0  }
0x34: {  	s29 =	sadd.s32 $0x40, s30;
	[sflag:s15] =	ssyncadd.s32 $0xFFFFC000  }
0x35: {  	[tilespmem:s4], [sflag:$0x3] =	stream.linear.gather [hbm4b:s29+s4], $0x80, $0x38;
	[tilespmem:$0x1C200] =	vst v63  }
0x36: {  	s29 =	sadd.s32 $0x50, s30  }
0x37: {  	[tilespmem:s16], [sflag:$0x5] =	stream.linear.gather [hbm4b:s29+s4], $0x80, $0x38;
	[tilespmem:$0x1C200] =	vst v63  }
0x38: {  	_ =	swait.ge [sflag:s24], $0x4000  }
0x39: {  	[sflag:s24] =	ssyncset.done $0x0  }
0x3a: {  	[sflag:s24] =	ssyncadd.s32 $0xFFFFC000  }
0x3b: {  	_ =	swait.ge [sflag:s25], $0x80  }
0x3c: {  	[sflag:s25] =	ssyncset.done $0x0  }
0x3d: {  	[sflag:s25] =	ssyncadd.s32 $0xFFFFFF80  }
0x3e: {  	_ =	swait.ge [sflag:s26], $0x80  }
0x3f: {  	[sflag:s26] =	ssyncset.done $0x0  }
0x40: {  	[sflag:s26] =	ssyncadd.s32 $0xFFFFFF80  }
0x41: {  	[tilespmem:s19], [sflag:$0x1] =	stream.indirect.gather [hbm4b:s1+s17], $0x80, s4, s17, $0xb8;
	[tilespmem:$0x1C200] =	vst v63  }
0x42: {  	_ = 	snop  }
0x43: {  	[spmem:s2] =	stream.indirect.scatter.add.f32 [tilespmem:s23], [sflag:$0x7], $0x80, s18, s17, $0xb8;
	[tilespmem:$0x1C200] =	vst v63  }
0x44: {  	_ =	swait.ge [sflag:s15], $0x4000  }
0x45: {  	[sflag:s15] =	ssyncset.done $0x0  }
0x46: {  	s29 =	sadd.s32 $0x60, s30;
	[sflag:s15] =	ssyncadd.s32 $0xFFFFC000  }
0x47: {  	[tilespmem:s17], [sflag:$0x4] =	stream.linear.gather [hbm4b:s29+s4], $0x80, $0x38;
	[tilespmem:$0x1C200] =	vst v63  }
0x48: {  	s30 =	sadd.s32 $0x70, s30;
	s29 =	simm.s32 $0x40  }
.LBB2_2:
0x49: {  	[tilespmem:s18], [sflag:$0x6] =	stream.linear.gather [hbm4b:s30+s4], $0x80, $0x38;
	[tilespmem:$0x1C200] =	vst v63  }
0x4a: {  	s30 =	smov.u32 s29  }
0x4b: {  	p0 =	sne.s32 s29, $0x980;
	s29 =	sadd.s32 $0x40, s29;
	_ =	swait.ge [sflag:s20], $0x4000  }
0x4c: {  	[sflag:s20] =	ssyncset.done $0x0  }
0x4d: {  	[sflag:s20] =	ssyncadd.s32 $0xFFFFC000  }
0x4e: {  	_ =	swait.ge [sflag:s21], $0x80  }
0x4f: {  	[sflag:s21] =	ssyncset.done $0x0  }
0x50: {  	[sflag:s21] =	ssyncadd.s32 $0xFFFFFF80  }
0x51: {  	_ =	swait.ge [sflag:s22], $0x80  }
0x52: {  	[sflag:s22] =	ssyncset.done $0x0  }
0x53: {  	[sflag:s22] =	ssyncadd.s32 $0xFFFFFF80  }
0x54: {  	[tilespmem:s23], [sflag:$0x2] =	stream.indirect.gather [hbm4b:s1+s17], $0x80, s17, s17, $0xb8;
	[tilespmem:$0x1C200] =	vst v63  }
0x55: {  	_ = 	snop  }
0x56: {  	[spmem:s2] =	stream.indirect.scatter.add.f32 [tilespmem:s19], [sflag:$0x7], $0x80, s16, s17, $0xb8;
	[tilespmem:$0x1C200] =	vst v63  }
0x57: {  	_ =	swait.ge [sflag:s15], $0x4000  }
0x58: {  	s30 =	sadd.s32 s30, s13;
	[sflag:s15] =	ssyncset.done $0x0  }
0x59: {  	s31 =	sadd.s32 $0x40, s30;
	[sflag:s15] =	ssyncadd.s32 $0xFFFFC000  }
0x5a: {  	[tilespmem:s4], [sflag:$0x3] =	stream.linear.gather [hbm4b:s31+s4], $0x80, $0x38;
	[tilespmem:$0x1C200] =	vst v63  }
0x5b: {  	s31 =	sadd.s32 $0x50, s30  }
0x5c: {  	[tilespmem:s16], [sflag:$0x5] =	stream.linear.gather [hbm4b:s31+s4], $0x80, $0x38;
	[tilespmem:$0x1C200] =	vst v63  }
0x5d: {  	_ =	swait.ge [sflag:s24], $0x4000  }
0x5e: {  	[sflag:s24] =	ssyncset.done $0x0  }
0x5f: {  	[sflag:s24] =	ssyncadd.s32 $0xFFFFC000  }
0x60: {  	_ =	swait.ge [sflag:s25], $0x80  }
0x61: {  	[sflag:s25] =	ssyncset.done $0x0  }
0x62: {  	[sflag:s25] =	ssyncadd.s32 $0xFFFFFF80  }
0x63: {  	_ =	swait.ge [sflag:s26], $0x80  }
0x64: {  	[sflag:s26] =	ssyncset.done $0x0  }
0x65: {  	[sflag:s26] =	ssyncadd.s32 $0xFFFFFF80  }
0x66: {  	[tilespmem:s19], [sflag:$0x1] =	stream.indirect.gather [hbm4b:s1+s17], $0x80, s4, s17, $0xb8;
	[tilespmem:$0x1C200] =	vst v63  }
0x67: {  	_ = 	snop  }
0x68: {  	[spmem:s2] =	stream.indirect.scatter.add.f32 [tilespmem:s23], [sflag:$0x7], $0x80, s18, s17, $0xb8;
	[tilespmem:$0x1C200] =	vst v63  }
.Ltmp0:
0x69: {  	_ =	swait.ge [sflag:s15], $0x4000;
	(pc) =	sbr.rel @p0 .LBB2_2-.Ltmp0, $4  }
0x6a: {  	[sflag:s15] =	ssyncset.done $0x0  }
0x6b: {  	s31 =	sadd.s32 $0x60, s30;
	[sflag:s15] =	ssyncadd.s32 $0xFFFFC000  }
0x6c: {  	[tilespmem:s17], [sflag:$0x4] =	stream.linear.gather [hbm4b:s31+s4], $0x80, $0x38;
	[tilespmem:$0x1C200] =	vst v63  }
0x6d: {  	s30 =	sadd.s32 $0x70, s30  }
0x6e: {  	[tilespmem:s18], [sflag:$0x6] =	stream.linear.gather [hbm4b:s30+s4], $0x80, $0x38;
	[tilespmem:$0x1C200] =	vst v63  }
0x6f: {  	_ =	swait.ge [sflag:s20], $0x4000  }
0x70: {  	[sflag:s20] =	ssyncset.done $0x0  }
0x71: {  	[sflag:s20] =	ssyncadd.s32 $0xFFFFC000  }
0x72: {  	_ =	swait.ge [sflag:s21], $0x80  }
0x73: {  	[sflag:s21] =	ssyncset.done $0x0  }
0x74: {  	[sflag:s21] =	ssyncadd.s32 $0xFFFFFF80  }
0x75: {  	_ =	swait.ge [sflag:s22], $0x80  }
0x76: {  	[sflag:s22] =	ssyncset.done $0x0  }
0x77: {  	[sflag:s22] =	ssyncadd.s32 $0xFFFFFF80  }
0x78: {  	[tilespmem:s23], [sflag:$0x2] =	stream.indirect.gather [hbm4b:s1+s17], $0x80, s17, s17, $0xb8;
	[tilespmem:$0x1C200] =	vst v63  }
0x79: {  	_ = 	snop  }
0x7a: {  	[spmem:s2] =	stream.indirect.scatter.add.f32 [tilespmem:s19], [sflag:$0x7], $0x80, s16, s17, $0xb8;
	[tilespmem:$0x1C200] =	vst v63  }
0x7b: {  	_ =	swait.ge [sflag:s15], $0x4000  }
0x7c: {  	[sflag:s15] =	ssyncset.done $0x0  }
0x7d: {  	[sflag:s15] =	ssyncadd.s32 $0xFFFFC000  }
0x7e: {  	_ =	swait.ge [sflag:s24], $0x4000  }
0x7f: {  	[sflag:s24] =	ssyncset.done $0x0  }
0x80: {  	[sflag:s24] =	ssyncadd.s32 $0xFFFFC000  }
0x81: {  	[spmem:s2] =	stream.indirect.scatter.add.f32 [tilespmem:s23], [sflag:$0x7], $0x80, s18, s17, $0xb8;
	[tilespmem:$0x1C200] =	vst v63  }
0x82: {  	_ =	swait.ge [sflag:s15], $0x4000  }
0x83: {  	[sflag:s15] =	ssyncset.done $0x0  }
0x84: {  	[sflag:s15] =	ssyncadd.s32 $0xFFFFC000  }
0x85: {  	[bflag:$0x0] =	sbarrier.arrive $0xFFFF  }
0x86: {  	[tilespmem:s4], [sflag:$0x7] =	stream.linear.gather [hbm4b:s6+s4], $0x80, $0x38;
	[tilespmem:$0x1C200] =	vst v63  }
0x87: {  	_ =	swait.ge [sflag:s15], $0x80  }
0x88: {  	s28 =	sadd.s32 $0x1, s28;
	[sflag:s15] =	ssyncset.done $0x0  }
0x89: {  	p0 =	sne.s32 s28, s11;
	[sflag:s15] =	ssyncadd.s32 $0xFFFFFF80  }
.Ltmp1:
0x8a: {  	[bflag:$0x0] =	sbarrier.arrive $0xFFFF;
	(pc) =	sbr.rel @p0 .LBB2_1-.Ltmp1, $4  }
0x8b: {  	[hbm:s12], [sflag:s7] =	dma.local [spmem:s14], $0x2800  }
0x8c: {  	_ =	swait.ge [sflag:s15], $0x2800  }
0x8d: {  	[sflag:s15] =	ssyncset.done $0x0  }
0x8e: {  	[sflag:s15] =	ssyncadd.s32 $0xFFFFD800  }
0x8f: {  	_ =	sfence.sel $0x180000  }
0x90: {  	[bflag:$0x0] =	sbarrier.arrive $0xFFFF  }
0x91: {  	p0 =	sne.s32 s3, $0x0;
	_ =	strace $0x9000004D  }
0x92: {  	s0 =	sadd.s32 @!p0 $0x100000, s0;
	[bflag:$0x2] =	sbarrier.arrive $0xFFFF  }
0x93: {  	[sflag:s0] =	ssyncadd.tile.s32 @!p0 $0x1;
	_ =	shalt  }
.Lfunc_end2:
_tile_overlayer_lowered:
.L_overlay_start_2:
0x94: {  	(tag) =	ssettag $0x2  }
0x95: {  	s0 =	rddreg [dreg:$0x0];
	s2 =	stileid.u32  }
0x96: {  	s1 =	rddreg [dreg:$0x1];
	p0 =	sne.s32 s2, $0x0  }
0x97: {  	s3 =	rddreg [dreg:$0x2];
	[bflag:$0x3] =	sbarrier.arrive $0xFFFF;
	s2 =	simm.s32 @!p0 $0x1C07  }
0x98: {  	[timem:s3], [sflag:s2] =	dma.local @!p0 [hbm:s0], s1  }
0x99: {  	s0 =	simm.s32 @!p0 $0x7  }
0x9a: {  	_ =	swait.ge @!p0 [sflag:s0], s1  }
0x9b: {  	s1 =	ssub.s32 @!p0 $0x0, s1;
	[sflag:s0] =	ssyncset.done @!p0 $0x0  }
0x9c: {  	[sflag:s0] =	ssyncadd.s32 @!p0 s1  }
0x9d: {  	[bflag:$0x3] =	sbarrier.arrive $0xFFFF  }
0x9e: {  	_ =	shalt  }

// kernel: kernel.8.cloned.1.call-start
scs
__scs_entry_jumppad:
0x0: {  	(pc) =	sbr.rel $0x88, $3  }
0x1: {  	(tag) =	ssettag $0x0;
	lr =	simm.s32 $0x1  }
0x2: {  	[smem:$0x3F9B] =	sst lr;
	_ =	strace $0xD0000000  }
0x3: {  	_ = 	snop  }
0x4: {  	_ = 	snop  }
0x5: {  	_ = 	snop  }
0x6: {  	_ = 	snop  }
0x7: {  	_ = 	snop  }
__scs_overlays_trampoline_lowered:
0x8: {  	[smem:$0x3FAA] =	sst s0  }
0x9: {  	[smem:$0x3FAB] =	sst s1  }
0xa: {  	[smem:$0x3FAC] =	sst s2  }
0xb: {  	[smem:$0x3FAD] =	sst s3  }
0xc: {  	[smem:$0x3FAE] =	sst s4  }
0xd: {  	[smem:$0x3FAF] =	sst s5  }
0xe: {  	[smem:$0x3FB0] =	sst s6  }
0xf: {  	[smem:$0x3FB1] =	sst s7  }
0x10: {  	[smem:$0x3FB2] =	sst s8  }
0x11: {  	[smem:$0x3FB3] =	sst s9;
	s0 =	simm.s32 @!p0 $0x0  }
0x12: {  	s1 =	sld [smem:$0x3F99];
	s0 =	simm.s32 @p0 $0x1  }
0x13: {  	[smem:$0x3FB4] =	sst s0;
	s0 =	simm.s32 @!p1 $0x0  }
0x14: {  	s2 =	sld [smem:$0x3F98];
	s0 =	simm.s32 @p1 $0x1  }
0x15: {  	[smem:$0x3FB5] =	sst s0;
	s0 =	simm.s32 @!p2 $0x0  }
0x16: {  	s3 =	sld [smem:$0x3FDB];
	s0 =	simm.s32 @p2 $0x1  }
0x17: {  	s4 =	simm.s32 $0x1BF5;
	[smem:$0x3FB7] =	sst s0  }
0x18: {  	s0 =	sld [smem:$0x3F9A];
	_ =	swait.ge [sflag:s4], $0x0  }
0x19: {  	s7 =	sld [smem:$0x3F9B]  }
0x1a: {  	s8 =	sadd.s32 $0xFFFFE003, lr  }
0x1b: {  	s9 =	sadd.s32 $0xFFFFFEF7, lr;
	s5 =	simm.s32 $0xFFFFFFFF;
	p2 =	slt.u32 s8, $0xFFFFF086  }
0x1c: {  	p1 =	slt.u32 s9, $0xF7A;
	s5 =	simm.s32 @!p2 $0x0  }
0x1d: {  	s5 =	simm.s32 @p1 $0x1;
	p0 =	seq.s32 s7, s2  }
0x1e: {  	s7 =	smul.u32 @!p0 $0xF7A, s2;
	p2 =	seq.s32 @!p0 s5, $0x0  }
0x1f: {  	s9 =	smul.u32 $0xF7A, s1;
	s8 =	simm.s32 @!p0 $0x1BF5;
	p2 =	por !p2, p0  }
0x20: {  	[sflag:s8] =	ssyncset.s32 @!p0 $0xFFFFF086;
	s6 =	sadd.s32 @!p0 s3, s7;
	s7 =	simm.s32 @!p0 $0x108  }
0x21: {  	s3 =	sadd.s32 s3, s9;
	s6 =	sadd.s32 @!p0 $0x88, s6;
	s7 =	simm.s32 @p2 $0x1082  }
0x22: {  	[simem:s7], [sflag:s8] =	dma.local @!p0 [hbm:s6], $0xF7A  }
0x23: {  	s9 =	sor.u32 $0xD0000000, s2;
	s6 =	simm.s32 $0x108;
	_ =	swait.ge @!p0 [sflag:s8], $0x0  }
0x24: {  	s3 =	sadd.s32 $0x88, s3;
	s6 =	simm.s32 @!p1 $0x1082;
	[sflag:s4] =	ssyncset.s32 $0xFFFFF086  }
0x25: {  	[simem:s6], [sflag:s4] =	dma.local [hbm:s3], $0xF7A  }
0x26: {  	[smem:$0x3F9B] =	sst s1;
	(tag) =	ssettag s2;
	_ =	strace s9  }
0x27: {  	s1 =	sld [smem:$0x3FAB]  }
0x28: {  	s2 =	sld [smem:$0x3FAC]  }
0x29: {  	s4 =	sld [smem:$0x3FAE]  }
0x2a: {  	p0 =	seq.s32 s5, $0x0;
	s5 =	sld [smem:$0x3FAF]  }
0x2b: {  	s6 =	sld [smem:$0x3FB0]  }
0x2c: {  	s7 =	sld [smem:$0x3FB1]  }
0x2d: {  	s3 =	simm.s32 $0x108;
	s8 =	sld [smem:$0x3FB2]  }
0x2e: {  	s3 =	simm.s32 @!p0 $0x1082;
	s9 =	sld [smem:$0x3FB3]  }
0x2f: {  	lr =	sadd.s32 s0, s3;
	s0 =	sld [smem:$0x3FAA]  }
0x30: {  	s3 =	sld [smem:$0x3FAD]  }
0x31: {  	[smem:$0x3FB6] =	sst s10  }
0x32: {  	s10 =	sld [smem:$0x3FB4];
	_ =	sdelay $0x3  }
0x33: {  	p0 =	seq.s32 s10, $0x1;
	s10 =	sld [smem:$0x3FB6];
	_ =	sdelay $0x3  }
0x34: {  	[smem:$0x3FB6] =	sst s10  }
0x35: {  	s10 =	sld [smem:$0x3FB5];
	_ =	sdelay $0x3  }
0x36: {  	p1 =	seq.s32 s10, $0x1;
	s10 =	sld [smem:$0x3FB6];
	_ =	sdelay $0x3  }
0x37: {  	[smem:$0x3FB6] =	sst s10  }
0x38: {  	s10 =	sld [smem:$0x3FB7]  }
0x39: {  	_ = 	snop;
	(pc) =	sbr.ind lr, $3  }
0x3a: {  	_ = 	snop  }
0x3b: {  	_ = 	snop  }
0x3c: {  	p2 =	seq.s32 s10, $0x1;
	s10 =	sld [smem:$0x3FB6]  }
0x3d: {  	_ =	shalt  }
0x3e: {  	_ =	shalt  }
0x3f: {  	_ =	shalt  }
0x40: {  	_ =	shalt  }
0x41: {  	_ =	shalt  }
0x42: {  	_ =	shalt  }
0x43: {  	_ =	shalt  }
0x44: {  	_ =	shalt  }
0x45: {  	_ =	shalt  }
0x46: {  	_ =	shalt  }
0x47: {  	_ =	shalt  }
0x48: {  	_ =	shalt  }
0x49: {  	_ =	shalt  }
0x4a: {  	_ =	shalt  }
0x4b: {  	_ =	shalt  }
0x4c: {  	_ =	shalt  }
0x4d: {  	_ =	shalt  }
0x4e: {  	_ =	shalt  }
0x4f: {  	_ =	shalt  }
0x50: {  	_ =	shalt  }
0x51: {  	_ =	shalt  }
0x52: {  	_ =	shalt  }
0x53: {  	_ =	shalt  }
0x54: {  	_ =	shalt  }
0x55: {  	_ =	shalt  }
0x56: {  	_ =	shalt  }
0x57: {  	_ =	shalt  }
0x58: {  	_ =	shalt  }
0x59: {  	_ =	shalt  }
0x5a: {  	_ =	shalt  }
0x5b: {  	_ =	shalt  }
0x5c: {  	_ =	shalt  }
0x5d: {  	_ =	shalt  }
0x5e: {  	_ =	shalt  }
0x5f: {  	_ =	shalt  }
0x60: {  	_ =	shalt  }
0x61: {  	_ =	shalt  }
0x62: {  	_ =	shalt  }
0x63: {  	_ =	shalt  }
0x64: {  	_ =	shalt  }
0x65: {  	_ =	shalt  }
0x66: {  	_ =	shalt  }
0x67: {  	_ =	shalt  }
0x68: {  	_ =	shalt  }
0x69: {  	_ =	shalt  }
0x6a: {  	_ =	shalt  }
0x6b: {  	_ =	shalt  }
0x6c: {  	_ =	shalt  }
0x6d: {  	_ =	shalt  }
0x6e: {  	_ =	shalt  }
0x6f: {  	_ =	shalt  }
0x70: {  	_ =	shalt  }
0x71: {  	_ =	shalt  }
0x72: {  	_ =	shalt  }
0x73: {  	_ =	shalt  }
0x74: {  	_ =	shalt  }
0x75: {  	_ =	shalt  }
0x76: {  	_ =	shalt  }
0x77: {  	_ =	shalt  }
0x78: {  	_ =	shalt  }
0x79: {  	_ =	shalt  }
0x7a: {  	_ =	shalt  }
0x7b: {  	_ =	shalt  }
0x7c: {  	_ =	shalt  }
0x7d: {  	_ =	shalt  }
0x7e: {  	_ =	shalt  }
0x7f: {  	_ =	shalt  }
0x80: {  	_ =	shalt  }
0x81: {  	_ =	shalt  }
0x82: {  	_ =	shalt  }
0x83: {  	_ =	shalt  }
0x84: {  	_ =	shalt  }
0x85: {  	_ =	shalt  }
0x86: {  	_ =	shalt  }
0x87: {  	_ =	shalt  }
.Lfunc_end0:
.L_simem_size_0:
called_computation_lowered:
.L_overlay_start_0:
0x88: {  	s2 =	sld [smem:$0x3FD9]  }
0x89: {  	s3 =	sld [smem:$0x3FFE];
	_ =	sdelay $0x1  }
0x8a: {  	s1 =	srdreg.scid  }
0x8b: {  	s0 =	sand.u32 $0x1, s1  }
0x8c: {  	s17 =	sshll.u32 s0, $0xA;
	s2 =	sadd.s32 s3, s2  }
0x8d: {  	s2 =	sadd.s32 s2, s17  }
0x8e: {  	[smem:$0x3FC2] =	sst s2  }
0x8f: {  	_ = 	snop  }
0x90: {  	s2 =	sld [smem:$0x3FD0];
	(tm) =	ssettm $0x1  }
0x91: {  	s18 =	sld [smem:$0x3FFB];
	_ =	sdelay $0x3  }
0x92: {  	_ =	strace s18  }
0x93: {  	s3 =	sld [smem:$0x3FFC];
	_ =	sdelay $0x3  }
0x94: {  	_ =	strace s3  }
0x95: {  	s3 =	sld [smem:$0x3FFD];
	_ =	sdelay $0x3  }
0x96: {  	_ =	strace s3  }
0x97: {  	_ =	strace $0x8FFFFFFF  }
0x98: {  	s19 =	sld [smem:$0x3FDB];
	_ =	sdelay $0x1  }
0x99: {  	s4 =	simm.s32 $_scs_section_size  }
0x9a: {  	s5 =	simm.s32 $_size__tile_overlayer_lowered;
	s6 =	simm.s32 $_tile_overlayer_lowered  }
0x9b: {  	s22 =	simm.s32 $0x1BFF;
	s21 =	sshll.u32 s6, $0x1;
	s3 =	sadd.s32 s4, s19  }
0x9c: {  	s7 =	simm.s32 $0x0;
	s20 =	sshll.u32 s5, $0x1;
	s5 =	sadd.s32 s21, s3  }
0x9d: {  	[timem:s7], [sflag:s22] =	dma.local [hbm:s5], s20  }
0x9e: {  	_ =	swait.ge [sflag:s22], s20  }
0x9f: {  	s4 =	ssub.s32 $0x0, s20;
	[sflag:s22] =	ssyncset.done $0x0  }
0xa0: {  	[sflag:s22] =	ssyncadd.s32 s4;
	_ =	sdelay $0x1  }
0xa1: {  	s23 =	simm.s32 $0x1B8B  }
0xa2: {  	_ =	swait.ge [sflag:s23], $0x1  }
0xa3: {  	[sflag:s23] =	ssyncset.done $0x0  }
0xa4: {  	s25 =	simm.s32 $0x1B8E;
	s24 =	sld [smem:$0x3FFE];
	[sflag:s23] =	ssyncadd.s32 $0xFFFFFFFF  }
0xa5: {  	s26 =	simm.s32 $execute0_lowered;
	[smem:$0x3FD2] =	sst s25  }
0xa6: {  	s5 =	sshll.u32 s26, $0x1;
	_ =	strace $0x80000046;
	[dreg:$0x1] =	wrdreg $0xFFFFFFFF  }
0xa7: {  	s28 =	simm.s32 $_size_execute0_lowered;
	s3 =	sadd.s32 s3, s5;
	[dreg:$0x0] =	wrdreg $0x0  }
0xa8: {  	s5 =	sshll.u32 s28, $0x1;
	[dreg:$0x2] =	wrdreg s3  }
0xa9: {  	[dreg:$0x3] =	wrdreg s5  }
0xaa: {  	[dreg:$0x4] =	wrdreg $0xC0  }
0xab: {  	_ =	task [dreg:s7], $0x5FFFF  }
0xac: {  	[dreg:$0x1] =	wrdreg $0xFFFFFFFF  }
0xad: {  	[dreg:$0x0] =	wrdreg $0x60  }
0xae: {  	[dreg:$0x2] =	wrdreg s2  }
0xaf: {  	[dreg:$0x3] =	wrdreg s24  }
0xb0: {  	[dreg:$0x4] =	wrdreg $0x28800  }
0xb1: {  	[dreg:$0x5] =	wrdreg $0x9  }
0xb2: {  	_ =	task.clear_ibuf [dreg:s7], $0x6FFFF;
	_ =	strace $0x90000046  }
0xb3: {  	s29 =	simm.s32 $0x9;
	_ =	strace $0x80000048  }
0xb4: {  	_ =	swait.ge [sflag:s29], $0x1  }
0xb5: {  	[sflag:s29] =	ssyncadd.s32 $0xFFFFFFFF  }
0xb6: {  	_ =	strace $0x90000048  }
0xb7: {  	_ =	sfence  }
0xb8: {  	s30 =	sld [smem:$0x0];
	_ =	sdelay $0x2  }
0xb9: {  	s31 =	sshll.u32 s1, $0xD;
	s1 =	sshrl.u32 s1, $0x2  }
0xba: {  	s3 =	sand.u32 $0x4000, s31;
	s1 =	sadd.s32 s1, s30  }
0xbb: {  	s0 =	sor.u32 s3, s0;
	s1 =	sshll.u32 s1, $0x11  }
0xbc: {  	s0 =	sor.u32 s1, s0  }
0xbd: {  	s0 =	sadd.s32 $0x8F2B, s0  }
0xbe: {  	[sflag:s0] =	ssyncadd.remote.s32 $0x1  }
0xbf: {  	_ =	sfence.sel $0xFFFF  }
0xc0: {  	[dreg:$0x0] =	wrdreg $0xFFFFFFFF;
	(pc) =	sbr.abs _section_cstart, $3  }
0xc1: {  	[dreg:$0x1] =	wrdreg $0xFFFFFFFF  }
0xc2: {  	_ =	task.clear_ibuf [dreg:s7], $0x2FFFF;
	_ =	strace $0x9FFFFFFF  }
0xc3: {  	(tm) =	ssettm $0x7FFFFFFF  }
tec
execute0_lowered:
.L_overlay_start_1:
0x0: {  	(tag) =	ssettag $0x1  }
0x1: {  	s7 =	rddreg [dreg:$0x0]  }
0x2: {  	s5 =	rddreg [dreg:$0x1]  }
0x3: {  	s2 =	rddreg [dreg:$0x2]  }
0x4: {  	s0 =	rddreg [dreg:$0x3];
	s3 =	simm.s32 $0x0  }
0x5: {  	s1 =	stileid.u32;
	s4 =	srdreg.scid;
	s14 =	simm.s32 $0x0  }
0x6: {  	[smem:$0x7FF] =	sst s3;
	s6 =	smul.u32 $0x280, s1;
	s8 =	sand.u32 $0x1, s4  }
0x7: {  	s4 =	sadd.s32 $0x17C00, s5;
	s31 =	sshll.u32 s1, $0x6;
	_ =	strace $0x80000047  }
0x8: {  	s10 =	ssub.s32 $0x2, s8;
	s11 =	sshll.u32 s8, $0x4;
	p0 =	seq.s32 s8, $0x1  }
0x9: {  	s9 =	sshrl.u32 s6, $0x3;
	s29 =	sshrl.u32 s10, $0x1;
	s12 =	sadd.s32 s6, s2  }
0xa: {  	s30 =	sor.u32 s1, s11;
	s6 =	sor.u32 $0x1C01, s31;
	s11 =	simm.s32 $0x18400  }
0xb: {  	s9 =	sadd.s32 s9, s5;
	s10 =	ssub.s32 s10, s29;
	s13 =	smul.u32 $0x500, s30  }
0xc: {  	s11 =	simm.s32 @!p0 $0x18A00;
	s5 =	sadd.s32 $0x17E00, s9;
	s8 =	smax.u32 s10, $0x1  }
0xd: {  	s9 =	sadd.s32 s11, s9;
	s10 =	sshrl.u32 s12, $0x3;
	s11 =	simm.s32 $0x1  }
0xe: {  	s12 =	simm.s32 $0x2800;
	s7 =	sadd.s32 s7, s13;
	s13 =	simm.s32 $0x80  }
.LBB2_1:
0xf: {  	[spmem:s10], [sflag:s6] =	dma.local [hbm:s5], $0x50  }
0x10: {  	_ =	swait.ge [sflag:s11], $0x50  }
0x11: {  	[sflag:s11] =	ssyncset.done $0x0  }
0x12: {  	[sflag:s11] =	ssyncadd.s32 $0xFFFFFFB0  }
0x13: {  	[tilespmem:s12], [sflag:$0x1] =	stream.linear.gather [hbm4b:s4+s3], $0x80, $0x38;
	[tilespmem:$0x2B00] =	vst v63  }
0x14: {  	_ =	swait.ge [sflag:s11], $0x80  }
0x15: {  	[sflag:s11] =	ssyncset.done $0x0  }
0x16: {  	[sflag:s11] =	ssyncadd.s32 $0xFFFFFF80  }
0x17: {  	[tilespmem:s3], [sflag:$0x1] =	stream.linear.gather [hbm4b:s7+s3], $0x2800, $0x38;
	[tilespmem:$0x2B00] =	vst v63  }
0x18: {  	_ =	swait.ge [sflag:s11], $0x2800  }
0x19: {  	[sflag:s11] =	ssyncset.done $0x0  }
0x1a: {  	[sflag:s11] =	ssyncadd.s32 $0xFFFFD800  }
0x1b: {  	s15 =	simm.s32 $0x0;
	[bflag:$0x0] =	sbarrier.arrive $0xFFFF  }
0x1c: {  	[spmem:s2] =	stream.indirect.scatter.add.f32 [tilespmem:s12], [sflag:$0x1], $0x1, s15, s13, $0xb8;
	[tilespmem:$0x2B00] =	vst v63  }
0x1d: {  	_ =	swait.ge [sflag:s11], $0x80  }
0x1e: {  	s15 =	simm.s32 $0x200;
	[sflag:s11] =	ssyncset.done $0x0  }
.LBB2_2:
0x1f: {  	s16 =	sshra.s32 s15, $0x2;
	[sflag:s11] =	ssyncadd.s32 $0xFFFFFF80;
	p0 =	sne.s32 s15, $0x9E00  }
0x20: {  	[spmem:s2] =	stream.indirect.scatter.add.f32 [tilespmem:s12], [sflag:$0x1], $0x1, s16, s13, $0xb8;
	[tilespmem:$0x2B00] =	vst v63  }
.Ltmp0:
0x21: {  	_ = 	snop;
	(pc) =	sbr.rel @p0 .LBB2_2-.Ltmp0, $4  }
0x22: {  	_ = 	snop  }
0x23: {  	s15 =	sadd.s32 $0x200, s15  }
0x24: {  	_ =	swait.ge [sflag:s11], $0x80  }
0x25: {  	[sflag:s11] =	ssyncset.done $0x0  }
0x26: {  	[sflag:s11] =	ssyncadd.s32 $0xFFFFFF80  }
0x27: {  	[bflag:$0x0] =	sbarrier.arrive $0xFFFF  }
0x28: {  	[tilespmem:s3], [sflag:$0x1] =	stream.linear.gather [hbm4b:s7+s3], $0x80, $0x38;
	[tilespmem:$0x2B00] =	vst v63  }
0x29: {  	_ =	swait.ge [sflag:s11], $0x80  }
0x2a: {  	s14 =	sadd.s32 $0x1, s14;
	[sflag:s11] =	ssyncset.done $0x0  }
0x2b: {  	p0 =	sne.s32 s14, s8;
	[sflag:s11] =	ssyncadd.s32 $0xFFFFFF80  }
.Ltmp1:
0x2c: {  	[bflag:$0x0] =	sbarrier.arrive $0xFFFF;
	(pc) =	sbr.rel @p0 .LBB2_1-.Ltmp1, $4  }
0x2d: {  	[hbm:s9], [sflag:s6] =	dma.local [spmem:s10], $0x50  }
0x2e: {  	_ =	swait.ge [sflag:s11], $0x50  }
0x2f: {  	[sflag:s11] =	ssyncset.done $0x0  }
0x30: {  	[sflag:s11] =	ssyncadd.s32 $0xFFFFFFB0  }
0x31: {  	_ =	sfence.sel $0x180000  }
0x32: {  	[bflag:$0x0] =	sbarrier.arrive $0xFFFF  }
0x33: {  	p0 =	sne.s32 s1, $0x0;
	_ =	strace $0x90000047  }
0x34: {  	s0 =	sadd.s32 @!p0 $0x100000, s0;
	[bflag:$0x2] =	sbarrier.arrive $0xFFFF  }
0x35: {  	[sflag:s0] =	ssyncadd.tile.s32 @!p0 $0x1;
	_ =	shalt  }
.Lfunc_end2:
_tile_overlayer_lowered:
.L_overlay_start_2:
0x36: {  	(tag) =	ssettag $0x2  }
0x37: {  	s0 =	rddreg [dreg:$0x0];
	s2 =	stileid.u32  }
0x38: {  	s1 =	rddreg [dreg:$0x1];
	p0 =	sne.s32 s2, $0x0  }
0x39: {  	s3 =	rddreg [dreg:$0x2];
	[bflag:$0x3] =	sbarrier.arrive $0xFFFF;
	s2 =	simm.s32 @!p0 $0x1C01  }
0x3a: {  	[timem:s3], [sflag:s2] =	dma.local @!p0 [hbm:s0], s1  }
0x3b: {  	s0 =	simm.s32 @!p0 $0x1  }
0x3c: {  	_ =	swait.ge @!p0 [sflag:s0], s1  }
0x3d: {  	s1 =	ssub.s32 @!p0 $0x0, s1;
	[sflag:s0] =	ssyncset.done @!p0 $0x0  }
0x3e: {  	[sflag:s0] =	ssyncadd.s32 @!p0 s1  }
0x3f: {  	[bflag:$0x3] =	sbarrier.arrive $0xFFFF  }
0x40: {  	_ =	shalt  }

</sc_bundles>
